<compile_context>
chip_gen: v7x
topology: tpu7x:2x2x1
jax: 0.10.2.dev20260603
libtpu: 0.0.44.dev20260713+nightly
codegen_flags: <defaults>
</compile_context>

<pallas_src>
import dataclasses

import jax
import jax.numpy as jnp
from jax import lax
from jax.experimental import pallas as pl
from jax.experimental.pallas import tpu as pltpu
from jax.experimental.pallas import tpu_sc as plsc

N_NODES = 10000
N_EDGES = 160000
D_FEAT = 256

NPAD = 10240
CHUNK = NPAD // 16
ROWBLK = 2048
NCH = N_EDGES // 128
NMAIN = NCH // 32
NEXTRA = NCH - 32 * NMAIN
EMAIN = NMAIN * 128
EHALF_A = 19 * 128
EHALF_B = 20 * 128


def _f_body(x_ref, w_ref, o_ref):
    i = pl.program_id(0)
    w = jnp.reshape(w_ref[...], (D_FEAT, 1))
    y = jnp.dot(x_ref[...], w, preferred_element_type=jnp.float32)
    rows = i * ROWBLK + lax.broadcasted_iota(jnp.int32, (ROWBLK, 1), 0)
    y = jnp.where(rows < N_NODES, jax.nn.sigmoid(y), 0.0)
    o_ref[...] = jnp.reshape(y, (ROWBLK // 128, 128))


def _edge_body(f_hbm, e_hbm, prop_hbm, den_hbm,
               cols_m, rows_a, rows_b, cols_e, rows_e, f_v, g_a, g_b, g_e,
               buf_v, den_v, prop_sh, sem, sem_i):
    cid = lax.axis_index("c")
    sid = lax.axis_index("s")
    gw = cid * 16 + sid
    c0 = pl.multiple_of(sid * CHUNK, CHUNK)
    e0 = pl.multiple_of((NMAIN * gw + jnp.minimum(gw, NEXTRA)) * 128, 128)
    has_extra = gw < NEXTRA

    cp1 = pltpu.async_copy(e_hbm.at[1, pl.ds(e0, EMAIN)], cols_m, sem)
    cp2 = pltpu.async_copy(e_hbm.at[0, pl.ds(e0, EHALF_A)], rows_a, sem)
    cp3 = pltpu.async_copy(
        e_hbm.at[0, pl.ds(pl.multiple_of(e0 + EHALF_A, 128), EHALF_B)],
        rows_b, sem)
    cpf = pltpu.async_copy(f_hbm, f_v, sem)

    @pl.when(has_extra)
    def _():
        eb = pl.multiple_of((32 * NMAIN + gw) * 128, 128)
        pltpu.async_copy(e_hbm.at[1, pl.ds(eb, 128)], cols_e, sem).wait()
        pltpu.async_copy(e_hbm.at[0, pl.ds(eb, 128)], rows_e, sem).wait()

    @pl.loop(0, CHUNK, step=16)
    def _(i):
        buf_v[pl.ds(i, 16)] = jnp.zeros((16,), jnp.float32)

    @pl.loop(0, 128, step=16)
    def _(i):
        g_e[pl.ds(i, 16)] = jnp.zeros((16,), jnp.float32)

    pltpu.sync_copy(buf_v, prop_sh.at[pl.ds(c0, CHUNK)])
    cp1.wait()
    cp2.wait()
    cp3.wait()
    cpf.wait()
    plsc.subcore_barrier()

    den = jnp.zeros((16,), jnp.float32)
    scs = []
    for h0, n, g_h, rows_h in ((0, EHALF_A, g_a, rows_a),
                               (EHALF_A, EHALF_B, g_b, rows_b)):
        def _gacc(t, a, h0=h0, g_h=g_h):
            base = pl.multiple_of(h0 + t * 64, 64)
            for u in range(4):
                idx = cols_m[pl.ds(base + u * 16, 16)]
                g = plsc.load_gather(f_v, [idx])
                g_h[pl.ds(pl.multiple_of(t * 64 + u * 16, 16), 16)] = g
                a = a + g * g
            return a

        den = lax.fori_loop(0, n // 64, _gacc, den)
        scs.append(pltpu.async_copy(
            g_h, prop_sh.at[rows_h], sem_i, add=True))

    @pl.when(has_extra)
    def _():
        @pl.loop(0, 128, step=16)
        def _(i):
            off = pl.ds(i, 16)
            g_e[off] = plsc.load_gather(f_v, [cols_e[off]])

    @pl.when(has_extra)
    def _():
        pltpu.async_copy(g_e, prop_sh.at[rows_e], sem_i, add=True).wait()

    def _dacc_ext(t, a):
        g = g_e[pl.ds(pl.multiple_of(t * 16, 16), 16)]
        return a + g * g

    den = lax.fori_loop(0, 8, _dacc_ext, den)
    den_v[...] = den
    pltpu.sync_copy(den_v, den_hbm.at[gw // 8, pl.ds(
        pl.multiple_of((gw % 8) * 16, 16), 16)])

    for s in scs:
        s.wait()
    plsc.subcore_barrier()

    pubs = []
    for k in range(CHUNK // 128):
        pubs.append(pltpu.async_copy(
            prop_sh.at[pl.ds(pl.multiple_of(c0 + k * 128, 128), 128)],
            prop_hbm.at[cid, sid * (CHUNK // 128) + k, :], sem))
    for p in pubs:
        p.wait()


def _final_body(f_ref, p_ref, d_ref, o_ref):
    p = p_ref[0] + p_ref[1]
    diff = f_ref[...] - p
    num = jnp.sum(diff * diff)
    den = jnp.sum(d_ref[pl.ds(0, 4), :])
    o_ref[...] = jnp.full((1, 1), -(num / den), jnp.float32)


def kernel(features, edge_index, W):

    f = pl.pallas_call(
        _f_body,
        grid=(NPAD // ROWBLK,),
        in_specs=[pl.BlockSpec((ROWBLK, D_FEAT), lambda i: (i, 0)),
                  pl.BlockSpec((D_FEAT,), lambda i: (0,))],
        out_specs=pl.BlockSpec((ROWBLK // 128, 128), lambda i: (i, 0)),
        out_shape=jax.ShapeDtypeStruct((NPAD // 128, 128), jnp.float32),
    )(features, W.reshape(D_FEAT))

    mesh = plsc.VectorSubcoreMesh(core_axis_name="c", subcore_axis_name="s")
    cp = pltpu.CompilerParams()
    if "needs_layout_passes" in pltpu.CompilerParams.__dataclass_fields__:
        cp = dataclasses.replace(cp, needs_layout_passes=False)
    edge_kernel = pl.kernel(
        _edge_body,
        compiler_params=cp,
        out_type=[jax.ShapeDtypeStruct((2, NPAD // 128, 128), jnp.float32),
                  jax.ShapeDtypeStruct((8, 128), jnp.float32)],
        mesh=mesh,
        scratch_types=[
            pltpu.VMEM((EMAIN,), jnp.int32),
            pltpu.VMEM((EHALF_A,), jnp.int32),
            pltpu.VMEM((EHALF_B,), jnp.int32),
            pltpu.VMEM((128,), jnp.int32),
            pltpu.VMEM((128,), jnp.int32),
            pltpu.VMEM((NPAD,), jnp.float32),
            pltpu.VMEM((EHALF_A,), jnp.float32),
            pltpu.VMEM((EHALF_B,), jnp.float32),
            pltpu.VMEM((128,), jnp.float32),
            pltpu.VMEM((CHUNK,), jnp.float32),
            pltpu.VMEM((16,), jnp.float32),
            pltpu.VMEM_SHARED((NPAD,), jnp.float32),
            pltpu.SemaphoreType.DMA,
            pltpu.SemaphoreType.DMA,
        ],
    )
    prop, den = edge_kernel(f.reshape(NPAD), edge_index)

    out = pl.pallas_call(
        _final_body,
        out_shape=jax.ShapeDtypeStruct((1, 1), jnp.float32),
    )(f, prop, den)
    return jnp.reshape(out, ())

# --- scband reference (transcript-rebuilt; emitter-appended) ---
"""Pipeline reference for scband-fast-reg-56676388438733 (READ-ONLY COPY).

The authoritative reference and input builder live on the scoring server;
editing this copy changes nothing except your own understanding.
"""

import jax, jax.numpy as jnp
import numpy as np

N_NODES = 10000
N_EDGES = 160000
D_FEAT = 256

def setup_inputs(seed: int = 0) -> dict:
    key = jax.random.key(seed)
    k1, k2, k3 = jax.random.split(key, 3)
    features = jax.random.normal(k1, (N_NODES, D_FEAT), dtype=jnp.float32)
    edge_index = jax.random.randint(k2, (2, N_EDGES), 0, N_NODES, dtype=jnp.int32)
    # Learned parameter W with internal_shape = (d_feat, 1), per create_var in forward
    W = jax.random.normal(k3, (D_FEAT, 1), dtype=jnp.float32) * (1.0 / np.sqrt(D_FEAT))
    return {"features": features, "edge_index": edge_index, "W": W}

def reference(features, edge_index, W):
    # FastReg: forward is identity on features; the substantive computation is loss().
    # Adjacency G is the unnormalized sparse [N, N] graph built from edge_index,
    # edge_index[0] = row (dst of sparse_dense_matmul row index), edge_index[1] = col.
    rows = edge_index[0]
    cols = edge_index[1]
    # f = sigmoid(features @ W)  -> [N, 1]
    f = jax.nn.sigmoid(jnp.matmul(features, W))
    # propagated = G @ f : propagated[i] = sum over edges (i, j) of f[j]
    propagated = jax.ops.segment_sum(jnp.take(f, cols, axis=0), rows, num_segments=N_NODES)
    diffs = f - propagated
    # D = tf.sparse.reduce_sum(G, axis=0) -> column sums of G
    D = jax.ops.segment_sum(jnp.ones((N_EDGES,), dtype=jnp.float32), cols, num_segments=N_NODES)
    lam = jnp.sum(diffs * diffs) / jnp.sum(jnp.reshape(D, (-1, 1)) * f * f)
    loss = -lam
    return loss

if __name__ == "__main__":
    import jax
    _d = setup_inputs()
    print(jax.jit(kernel)(*tuple(_d.values())))

</pallas_src>

<mosaic_0001>
#map = affine_map<(d0, d1) -> (0)>
#map1 = affine_map<(d0, d1) -> (0, 0)>
#map2 = affine_map<(d0, d1) -> (0, 0, 0)>
module attributes {stable_mosaic.version = 14 : i64} {
  func.func @_edge_body(%arg0: i32, %arg1: i32, %arg2: memref<10240xf32, #tpu.memory_space<hbm>>, %arg3: memref<2x160000xi32, #tpu.memory_space<hbm>>, %arg4: memref<2x80x128xf32, #tpu.memory_space<hbm>>, %arg5: memref<8x128xf32, #tpu.memory_space<hbm>>, %arg6: memref<4992xi32, #tpu.memory_space<vmem>>, %arg7: memref<2432xi32, #tpu.memory_space<vmem>>, %arg8: memref<2560xi32, #tpu.memory_space<vmem>>, %arg9: memref<128xi32, #tpu.memory_space<vmem>>, %arg10: memref<128xi32, #tpu.memory_space<vmem>>, %arg11: memref<10240xf32, #tpu.memory_space<vmem>>, %arg12: memref<2432xf32, #tpu.memory_space<vmem>>, %arg13: memref<2560xf32, #tpu.memory_space<vmem>>, %arg14: memref<128xf32, #tpu.memory_space<vmem>>, %arg15: memref<640xf32, #tpu.memory_space<vmem>>, %arg16: memref<16xf32, #tpu.memory_space<vmem>>, %arg17: memref<10240xf32, #tpu.memory_space<vmem_shared>>, %arg18: memref<!tpu.dma_semaphore, #tpu.memory_space<semaphore_mem>>, %arg19: memref<!tpu.dma_semaphore, #tpu.memory_space<semaphore_mem>>) attributes {dimension_semantics = [#tpu.dimension_semantics<core_parallel>, #tpu.dimension_semantics<subcore_parallel>], iteration_bounds = array<i64: 2, 16>, scalar_prefetch = 0 : i64, scratch_operands = 14 : i64, tpu.core_type = #tpu.core_type<sc_vector_subcore>, window_params = [{transform_indices = #map}, {transform_indices = #map1}, {transform_indices = #map2}, {transform_indices = #map1}]} {
    %mul3A = arith.constant 16 : i32
    %mul3A_0 = arith.muli %arg0, %mul3A : i32
    %add3A = arith.addi %mul3A_0, %arg1 : i32
    %mul3A_1 = arith.constant 640 : i32
    %mul3A_2 = arith.muli %arg1, %mul3A_1 : i32
    %multiple_of3A = tpu.assume_multiple %mul3A_2, 640 : i32
    %mul3A_3 = arith.constant 39 : i32
    %mul3A_4 = arith.muli %mul3A_3, %add3A : i32
    %min3A = arith.constant 2 : i32
    %min3A_5 = arith.minsi %add3A, %min3A : i32
    %add3A_6 = arith.addi %mul3A_4, %min3A_5 : i32
    %mul3A_7 = arith.constant 128 : i32
    %mul3A_8 = arith.muli %add3A_6, %mul3A_7 : i32
    %multiple_of3A_9 = tpu.assume_multiple %mul3A_8, 128 : i32
    %lt3A = arith.constant 2 : i32
    %lt3A_10 = arith.cmpi slt, %add3A, %lt3A : i32
    %dma_start3A = arith.constant 1 : i32
    %dma_start3A_11 = tpu.memref_slice %arg3[%dma_start3A, %multiple_of3A_9] : memref<2x160000xi32, #tpu.memory_space<hbm>> -> memref<1x4992xi32, #tpu.memory_space<hbm>>
    %dma_start3A_12 = tpu.memref_squeeze %dma_start3A_11 : memref<1x4992xi32, #tpu.memory_space<hbm>> -> memref<4992xi32, #tpu.memory_space<hbm>>
    %dma_start3A_13 = tpu.memref_slice %arg3[%dma_start3A, %multiple_of3A_9] : memref<2x160000xi32, #tpu.memory_space<hbm>> -> memref<1x4992xi32, #tpu.memory_space<hbm>>
    %dma_start3A_14 = tpu.memref_squeeze %dma_start3A_13 : memref<1x4992xi32, #tpu.memory_space<hbm>> -> memref<4992xi32, #tpu.memory_space<hbm>>
    tpu.enqueue_dma source(%dma_start3A_14 : memref<4992xi32, #tpu.memory_space<hbm>>) target(%arg6 : memref<4992xi32, #tpu.memory_space<vmem>>) target_semaphore(%arg18 : memref<!tpu.dma_semaphore, #tpu.memory_space<semaphore_mem>>)
    %dma_start3A_15 = arith.constant 0 : i32
    %dma_start3A_16 = tpu.memref_slice %arg3[%dma_start3A_15, %multiple_of3A_9] : memref<2x160000xi32, #tpu.memory_space<hbm>> -> memref<1x2432xi32, #tpu.memory_space<hbm>>
    %dma_start3A_17 = tpu.memref_squeeze %dma_start3A_16 : memref<1x2432xi32, #tpu.memory_space<hbm>> -> memref<2432xi32, #tpu.memory_space<hbm>>
    %dma_start3A_18 = tpu.memref_slice %arg3[%dma_start3A_15, %multiple_of3A_9] : memref<2x160000xi32, #tpu.memory_space<hbm>> -> memref<1x2432xi32, #tpu.memory_space<hbm>>
    %dma_start3A_19 = tpu.memref_squeeze %dma_start3A_18 : memref<1x2432xi32, #tpu.memory_space<hbm>> -> memref<2432xi32, #tpu.memory_space<hbm>>
    tpu.enqueue_dma source(%dma_start3A_19 : memref<2432xi32, #tpu.memory_space<hbm>>) target(%arg7 : memref<2432xi32, #tpu.memory_space<vmem>>) target_semaphore(%arg18 : memref<!tpu.dma_semaphore, #tpu.memory_space<semaphore_mem>>)
    %add3A_20 = arith.constant 2432 : i32
    %add3A_21 = arith.addi %multiple_of3A_9, %add3A_20 : i32
    %multiple_of3A_22 = tpu.assume_multiple %add3A_21, 128 : i32
    %dma_start3A_23 = arith.constant 0 : i32
    %dma_start3A_24 = tpu.memref_slice %arg3[%dma_start3A_23, %multiple_of3A_22] : memref<2x160000xi32, #tpu.memory_space<hbm>> -> memref<1x2560xi32, #tpu.memory_space<hbm>>
    %dma_start3A_25 = tpu.memref_squeeze %dma_start3A_24 : memref<1x2560xi32, #tpu.memory_space<hbm>> -> memref<2560xi32, #tpu.memory_space<hbm>>
    %dma_start3A_26 = tpu.memref_slice %arg3[%dma_start3A_23, %multiple_of3A_22] : memref<2x160000xi32, #tpu.memory_space<hbm>> -> memref<1x2560xi32, #tpu.memory_space<hbm>>
    %dma_start3A_27 = tpu.memref_squeeze %dma_start3A_26 : memref<1x2560xi32, #tpu.memory_space<hbm>> -> memref<2560xi32, #tpu.memory_space<hbm>>
    tpu.enqueue_dma source(%dma_start3A_27 : memref<2560xi32, #tpu.memory_space<hbm>>) target(%arg8 : memref<2560xi32, #tpu.memory_space<vmem>>) target_semaphore(%arg18 : memref<!tpu.dma_semaphore, #tpu.memory_space<semaphore_mem>>)
    tpu.enqueue_dma source(%arg2 : memref<10240xf32, #tpu.memory_space<hbm>>) target(%arg11 : memref<10240xf32, #tpu.memory_space<vmem>>) target_semaphore(%arg18 : memref<!tpu.dma_semaphore, #tpu.memory_space<semaphore_mem>>)
    %convert_element_type3A = arith.extui %lt3A_10 : i1 to i32
    %cond3A = arith.constant 0 : i32
    %cond3A_28 = arith.cmpi ne, %convert_element_type3A, %cond3A : i32
    scf.if %cond3A_28 {
      %add3A_196 = arith.constant 1248 : i32
      %add3A_197 = arith.addi %add3A_196, %add3A : i32
      %mul3A_198 = arith.constant 128 : i32
      %mul3A_199 = arith.muli %add3A_197, %mul3A_198 : i32
      %multiple_of3A_200 = tpu.assume_multiple %mul3A_199, 128 : i32
      %dma_start3A_201 = arith.constant 1 : i32
      %dma_start3A_202 = tpu.memref_slice %arg3[%dma_start3A_201, %multiple_of3A_200] : memref<2x160000xi32, #tpu.memory_space<hbm>> -> memref<1x128xi32, #tpu.memory_space<hbm>>
      %dma_start3A_203 = tpu.memref_squeeze %dma_start3A_202 : memref<1x128xi32, #tpu.memory_space<hbm>> -> memref<128xi32, #tpu.memory_space<hbm>>
      %dma_start3A_204 = tpu.memref_slice %arg3[%dma_start3A_201, %multiple_of3A_200] : memref<2x160000xi32, #tpu.memory_space<hbm>> -> memref<1x128xi32, #tpu.memory_space<hbm>>
      %dma_start3A_205 = tpu.memref_squeeze %dma_start3A_204 : memref<1x128xi32, #tpu.memory_space<hbm>> -> memref<128xi32, #tpu.memory_space<hbm>>
      tpu.enqueue_dma source(%dma_start3A_205 : memref<128xi32, #tpu.memory_space<hbm>>) target(%arg9 : memref<128xi32, #tpu.memory_space<vmem>>) target_semaphore(%arg18 : memref<!tpu.dma_semaphore, #tpu.memory_space<semaphore_mem>>)
      %dma_wait3A_206 = arith.constant 1 : i32
      %dma_wait3A_207 = tpu.memref_slice %arg3[%dma_wait3A_206, %multiple_of3A_200] : memref<2x160000xi32, #tpu.memory_space<hbm>> -> memref<1x128xi32, #tpu.memory_space<hbm>>
      %dma_wait3A_208 = tpu.memref_squeeze %dma_wait3A_207 : memref<1x128xi32, #tpu.memory_space<hbm>> -> memref<128xi32, #tpu.memory_space<hbm>>
      %dma_wait3A_209 = tpu.memref_slice %arg3[%dma_wait3A_206, %multiple_of3A_200] : memref<2x160000xi32, #tpu.memory_space<hbm>> -> memref<1x128xi32, #tpu.memory_space<hbm>>
      %dma_wait3A_210 = tpu.memref_squeeze %dma_wait3A_209 : memref<1x128xi32, #tpu.memory_space<hbm>> -> memref<128xi32, #tpu.memory_space<hbm>>
      tpu.wait_dma2 semaphore(%arg18 : memref<!tpu.dma_semaphore, #tpu.memory_space<semaphore_mem>>) src(%dma_wait3A_210 : memref<128xi32, #tpu.memory_space<hbm>>) dst(%arg9 : memref<128xi32, #tpu.memory_space<vmem>>)
      %dma_start3A_211 = arith.constant 0 : i32
      %dma_start3A_212 = tpu.memref_slice %arg3[%dma_start3A_211, %multiple_of3A_200] : memref<2x160000xi32, #tpu.memory_space<hbm>> -> memref<1x128xi32, #tpu.memory_space<hbm>>
      %dma_start3A_213 = tpu.memref_squeeze %dma_start3A_212 : memref<1x128xi32, #tpu.memory_space<hbm>> -> memref<128xi32, #tpu.memory_space<hbm>>
      %dma_start3A_214 = tpu.memref_slice %arg3[%dma_start3A_211, %multiple_of3A_200] : memref<2x160000xi32, #tpu.memory_space<hbm>> -> memref<1x128xi32, #tpu.memory_space<hbm>>
      %dma_start3A_215 = tpu.memref_squeeze %dma_start3A_214 : memref<1x128xi32, #tpu.memory_space<hbm>> -> memref<128xi32, #tpu.memory_space<hbm>>
      tpu.enqueue_dma source(%dma_start3A_215 : memref<128xi32, #tpu.memory_space<hbm>>) target(%arg10 : memref<128xi32, #tpu.memory_space<vmem>>) target_semaphore(%arg18 : memref<!tpu.dma_semaphore, #tpu.memory_space<semaphore_mem>>)
      %dma_wait3A_216 = arith.constant 0 : i32
      %dma_wait3A_217 = tpu.memref_slice %arg3[%dma_wait3A_216, %multiple_of3A_200] : memref<2x160000xi32, #tpu.memory_space<hbm>> -> memref<1x128xi32, #tpu.memory_space<hbm>>
      %dma_wait3A_218 = tpu.memref_squeeze %dma_wait3A_217 : memref<1x128xi32, #tpu.memory_space<hbm>> -> memref<128xi32, #tpu.memory_space<hbm>>
      %dma_wait3A_219 = tpu.memref_slice %arg3[%dma_wait3A_216, %multiple_of3A_200] : memref<2x160000xi32, #tpu.memory_space<hbm>> -> memref<1x128xi32, #tpu.memory_space<hbm>>
      %dma_wait3A_220 = tpu.memref_squeeze %dma_wait3A_219 : memref<1x128xi32, #tpu.memory_space<hbm>> -> memref<128xi32, #tpu.memory_space<hbm>>
      tpu.wait_dma2 semaphore(%arg18 : memref<!tpu.dma_semaphore, #tpu.memory_space<semaphore_mem>>) src(%dma_wait3A_220 : memref<128xi32, #tpu.memory_space<hbm>>) dst(%arg10 : memref<128xi32, #tpu.memory_space<vmem>>)
    } else {
    }
    %scan3A = arith.constant 0 : i32
    %scan3A_29 = arith.constant 40 : i32
    %scan3A_30 = arith.addi %scan3A, %scan3A_29 : i32
    %scan3A_31 = arith.constant 1 : i32
    scf.for %scan3A_196 = %scan3A to %scan3A_30 step %scan3A_31  : i32 {
      %mul3A_197 = arith.constant 16 : i32
      %mul3A_198 = arith.muli %scan3A_196, %mul3A_197 : i32
      %add3A_199 = arith.constant 0 : i32
      %add3A_200 = arith.addi %add3A_199, %mul3A_198 : i32
      %broadcast_in_dim3A_201 = arith.constant 0.000000e+00 : f32
      %broadcast_in_dim3A_202 = vector.broadcast %broadcast_in_dim3A_201 : f32 to vector<16xf32>
      %swap3A_203 = arith.index_cast %add3A_200 : i32 to index
      %swap3A_204 = tpu.vector_load %arg15[%swap3A_203] {strides = array<i32>} : memref<640xf32, #tpu.memory_space<vmem>>, vector<16xf32>,
      tpu.vector_store %arg15[%swap3A_203], %broadcast_in_dim3A_202 {strides = array<i32>} : memref<640xf32, #tpu.memory_space<vmem>>, vector<16xf32>,
    }
    %scan3A_32 = arith.constant 40 : i32
    %scan3A_33 = arith.constant 0 : i32
    %scan3A_34 = arith.constant 8 : i32
    %scan3A_35 = arith.addi %scan3A_33, %scan3A_34 : i32
    %scan3A_36 = arith.constant 1 : i32
    scf.for %scan3A_196 = %scan3A_33 to %scan3A_35 step %scan3A_36  : i32 {
      %mul3A_197 = arith.constant 16 : i32
      %mul3A_198 = arith.muli %scan3A_196, %mul3A_197 : i32
      %add3A_199 = arith.constant 0 : i32
      %add3A_200 = arith.addi %add3A_199, %mul3A_198 : i32
      %broadcast_in_dim3A_201 = arith.constant 0.000000e+00 : f32
      %broadcast_in_dim3A_202 = vector.broadcast %broadcast_in_dim3A_201 : f32 to vector<16xf32>
      %swap3A_203 = arith.index_cast %add3A_200 : i32 to index
      %swap3A_204 = tpu.vector_load %arg14[%swap3A_203] {strides = array<i32>} : memref<128xf32, #tpu.memory_space<vmem>>, vector<16xf32>,
      tpu.vector_store %arg14[%swap3A_203], %broadcast_in_dim3A_202 {strides = array<i32>} : memref<128xf32, #tpu.memory_space<vmem>>, vector<16xf32>,
    }
    %scan3A_37 = arith.constant 8 : i32
    "tpu.region"() ({
      %run_scoped3A = tpu.sem_alloc : memref<!tpu.dma_semaphore, #tpu.memory_space<semaphore_mem>>
      %dma_start3A_196 = tpu.memref_slice %arg17[%multiple_of3A] : memref<10240xf32, #tpu.memory_space<vmem_shared>> -> memref<640xf32, #tpu.memory_space<vmem_shared>>
      %dma_start3A_197 = tpu.memref_slice %arg17[%multiple_of3A] : memref<10240xf32, #tpu.memory_space<vmem_shared>> -> memref<640xf32, #tpu.memory_space<vmem_shared>>
      tpu.enqueue_dma source(%arg15 : memref<640xf32, #tpu.memory_space<vmem>>) target(%dma_start3A_197 : memref<640xf32, #tpu.memory_space<vmem_shared>>) target_semaphore(%run_scoped3A : memref<!tpu.dma_semaphore, #tpu.memory_space<semaphore_mem>>)
      %dma_wait3A_198 = tpu.memref_slice %arg17[%multiple_of3A] : memref<10240xf32, #tpu.memory_space<vmem_shared>> -> memref<640xf32, #tpu.memory_space<vmem_shared>>
      %dma_wait3A_199 = tpu.memref_slice %arg17[%multiple_of3A] : memref<10240xf32, #tpu.memory_space<vmem_shared>> -> memref<640xf32, #tpu.memory_space<vmem_shared>>
      tpu.wait_dma2 semaphore(%run_scoped3A : memref<!tpu.dma_semaphore, #tpu.memory_space<semaphore_mem>>) src(%arg15 : memref<640xf32, #tpu.memory_space<vmem>>) dst(%dma_wait3A_199 : memref<640xf32, #tpu.memory_space<vmem_shared>>)
      tpu.yield
    }) : () -> ()
    %dma_wait3A = arith.constant 1 : i32
    %dma_wait3A_38 = tpu.memref_slice %arg3[%dma_wait3A, %multiple_of3A_9] : memref<2x160000xi32, #tpu.memory_space<hbm>> -> memref<1x4992xi32, #tpu.memory_space<hbm>>
    %dma_wait3A_39 = tpu.memref_squeeze %dma_wait3A_38 : memref<1x4992xi32, #tpu.memory_space<hbm>> -> memref<4992xi32, #tpu.memory_space<hbm>>
    %dma_wait3A_40 = tpu.memref_slice %arg3[%dma_wait3A, %multiple_of3A_9] : memref<2x160000xi32, #tpu.memory_space<hbm>> -> memref<1x4992xi32, #tpu.memory_space<hbm>>
    %dma_wait3A_41 = tpu.memref_squeeze %dma_wait3A_40 : memref<1x4992xi32, #tpu.memory_space<hbm>> -> memref<4992xi32, #tpu.memory_space<hbm>>
    tpu.wait_dma2 semaphore(%arg18 : memref<!tpu.dma_semaphore, #tpu.memory_space<semaphore_mem>>) src(%dma_wait3A_41 : memref<4992xi32, #tpu.memory_space<hbm>>) dst(%arg6 : memref<4992xi32, #tpu.memory_space<vmem>>)
    %dma_wait3A_42 = arith.constant 0 : i32
    %dma_wait3A_43 = tpu.memref_slice %arg3[%dma_wait3A_42, %multiple_of3A_9] : memref<2x160000xi32, #tpu.memory_space<hbm>> -> memref<1x2432xi32, #tpu.memory_space<hbm>>
    %dma_wait3A_44 = tpu.memref_squeeze %dma_wait3A_43 : memref<1x2432xi32, #tpu.memory_space<hbm>> -> memref<2432xi32, #tpu.memory_space<hbm>>
    %dma_wait3A_45 = tpu.memref_slice %arg3[%dma_wait3A_42, %multiple_of3A_9] : memref<2x160000xi32, #tpu.memory_space<hbm>> -> memref<1x2432xi32, #tpu.memory_space<hbm>>
    %dma_wait3A_46 = tpu.memref_squeeze %dma_wait3A_45 : memref<1x2432xi32, #tpu.memory_space<hbm>> -> memref<2432xi32, #tpu.memory_space<hbm>>
    tpu.wait_dma2 semaphore(%arg18 : memref<!tpu.dma_semaphore, #tpu.memory_space<semaphore_mem>>) src(%dma_wait3A_46 : memref<2432xi32, #tpu.memory_space<hbm>>) dst(%arg7 : memref<2432xi32, #tpu.memory_space<vmem>>)
    %dma_wait3A_47 = arith.constant 0 : i32
    %dma_wait3A_48 = tpu.memref_slice %arg3[%dma_wait3A_47, %multiple_of3A_22] : memref<2x160000xi32, #tpu.memory_space<hbm>> -> memref<1x2560xi32, #tpu.memory_space<hbm>>
    %dma_wait3A_49 = tpu.memref_squeeze %dma_wait3A_48 : memref<1x2560xi32, #tpu.memory_space<hbm>> -> memref<2560xi32, #tpu.memory_space<hbm>>
    %dma_wait3A_50 = tpu.memref_slice %arg3[%dma_wait3A_47, %multiple_of3A_22] : memref<2x160000xi32, #tpu.memory_space<hbm>> -> memref<1x2560xi32, #tpu.memory_space<hbm>>
    %dma_wait3A_51 = tpu.memref_squeeze %dma_wait3A_50 : memref<1x2560xi32, #tpu.memory_space<hbm>> -> memref<2560xi32, #tpu.memory_space<hbm>>
    tpu.wait_dma2 semaphore(%arg18 : memref<!tpu.dma_semaphore, #tpu.memory_space<semaphore_mem>>) src(%dma_wait3A_51 : memref<2560xi32, #tpu.memory_space<hbm>>) dst(%arg8 : memref<2560xi32, #tpu.memory_space<vmem>>)
    tpu.wait_dma2 semaphore(%arg18 : memref<!tpu.dma_semaphore, #tpu.memory_space<semaphore_mem>>) src(%arg2 : memref<10240xf32, #tpu.memory_space<hbm>>) dst(%arg11 : memref<10240xf32, #tpu.memory_space<vmem>>)
    %barrier3A = arith.constant 0 : index
    tpu.barrier barrier_id(%barrier3A)
    %broadcast_in_dim3A = arith.constant 0.000000e+00 : f32
    %broadcast_in_dim3A_52 = vector.broadcast %broadcast_in_dim3A : f32 to vector<16xf32>
    %scan3A_53 = arith.constant 0 : i32
    %scan3A_54 = arith.constant 38 : i32
    %scan3A_55 = arith.addi %scan3A_53, %scan3A_54 : i32
    %scan3A_56 = arith.constant 1 : i32
    %scan3A_57 = scf.for %scan3A_196 = %scan3A_53 to %scan3A_55 step %scan3A_56 iter_args(%scan3A_197 = %broadcast_in_dim3A_52) -> (vector<16xf32>)  : i32 {
      %mul3A_198 = arith.constant 64 : i32
      %mul3A_199 = arith.muli %scan3A_196, %mul3A_198 : i32
      %add3A_200 = arith.constant 0 : i32
      %add3A_201 = arith.addi %add3A_200, %mul3A_199 : i32
      %multiple_of3A_202 = tpu.assume_multiple %add3A_201, 64 : i32
      %add3A_203 = arith.constant 0 : i32
      %add3A_204 = arith.addi %multiple_of3A_202, %add3A_203 : i32
      %get3A = arith.index_cast %add3A_204 : i32 to index
      %get3A_205 = tpu.vector_load %arg6[%get3A] {strides = array<i32>} : memref<4992xi32, #tpu.memory_space<vmem>>, vector<16xi32>,
      %gather3A = tpu.vector_load_idx %arg11[%get3A_205] : memref<10240xf32, #tpu.memory_space<vmem>>[vector<16xi32>], vector<16xf32>,
      %mul3A_206 = arith.constant 64 : i32
      %mul3A_207 = arith.muli %scan3A_196, %mul3A_206 : i32
      %add3A_208 = arith.constant 0 : i32
      %add3A_209 = arith.addi %mul3A_207, %add3A_208 : i32
      %multiple_of3A_210 = tpu.assume_multiple %add3A_209, 16 : i32
      %swap3A_211 = arith.index_cast %multiple_of3A_210 : i32 to index
      %swap3A_212 = tpu.vector_load %arg12[%swap3A_211] {strides = array<i32>} : memref<2432xf32, #tpu.memory_space<vmem>>, vector<16xf32>,
      tpu.vector_store %arg12[%swap3A_211], %gather3A {strides = array<i32>} : memref<2432xf32, #tpu.memory_space<vmem>>, vector<16xf32>,
      %mul3A_213 = arith.mulf %gather3A, %gather3A : vector<16xf32>
      %add3A_214 = arith.addf %scan3A_197, %mul3A_213 : vector<16xf32>
      %add3A_215 = arith.constant 16 : i32
      %add3A_216 = arith.addi %multiple_of3A_202, %add3A_215 : i32
      %get3A_217 = arith.index_cast %add3A_216 : i32 to index
      %get3A_218 = tpu.vector_load %arg6[%get3A_217] {strides = array<i32>} : memref<4992xi32, #tpu.memory_space<vmem>>, vector<16xi32>,
      %gather3A_219 = tpu.vector_load_idx %arg11[%get3A_218] : memref<10240xf32, #tpu.memory_space<vmem>>[vector<16xi32>], vector<16xf32>,
      %mul3A_220 = arith.constant 64 : i32
      %mul3A_221 = arith.muli %scan3A_196, %mul3A_220 : i32
      %add3A_222 = arith.constant 16 : i32
      %add3A_223 = arith.addi %mul3A_221, %add3A_222 : i32
      %multiple_of3A_224 = tpu.assume_multiple %add3A_223, 16 : i32
      %swap3A_225 = arith.index_cast %multiple_of3A_224 : i32 to index
      %swap3A_226 = tpu.vector_load %arg12[%swap3A_225] {strides = array<i32>} : memref<2432xf32, #tpu.memory_space<vmem>>, vector<16xf32>,
      tpu.vector_store %arg12[%swap3A_225], %gather3A_219 {strides = array<i32>} : memref<2432xf32, #tpu.memory_space<vmem>>, vector<16xf32>,
      %mul3A_227 = arith.mulf %gather3A_219, %gather3A_219 : vector<16xf32>
      %add3A_228 = arith.addf %add3A_214, %mul3A_227 : vector<16xf32>
      %add3A_229 = arith.constant 32 : i32
      %add3A_230 = arith.addi %multiple_of3A_202, %add3A_229 : i32
      %get3A_231 = arith.index_cast %add3A_230 : i32 to index
      %get3A_232 = tpu.vector_load %arg6[%get3A_231] {strides = array<i32>} : memref<4992xi32, #tpu.memory_space<vmem>>, vector<16xi32>,
      %gather3A_233 = tpu.vector_load_idx %arg11[%get3A_232] : memref<10240xf32, #tpu.memory_space<vmem>>[vector<16xi32>], vector<16xf32>,
      %mul3A_234 = arith.constant 64 : i32
      %mul3A_235 = arith.muli %scan3A_196, %mul3A_234 : i32
      %add3A_236 = arith.constant 32 : i32
      %add3A_237 = arith.addi %mul3A_235, %add3A_236 : i32
      %multiple_of3A_238 = tpu.assume_multiple %add3A_237, 16 : i32
      %swap3A_239 = arith.index_cast %multiple_of3A_238 : i32 to index
      %swap3A_240 = tpu.vector_load %arg12[%swap3A_239] {strides = array<i32>} : memref<2432xf32, #tpu.memory_space<vmem>>, vector<16xf32>,
      tpu.vector_store %arg12[%swap3A_239], %gather3A_233 {strides = array<i32>} : memref<2432xf32, #tpu.memory_space<vmem>>, vector<16xf32>,
      %mul3A_241 = arith.mulf %gather3A_233, %gather3A_233 : vector<16xf32>
      %add3A_242 = arith.addf %add3A_228, %mul3A_241 : vector<16xf32>
      %add3A_243 = arith.constant 48 : i32
      %add3A_244 = arith.addi %multiple_of3A_202, %add3A_243 : i32
      %get3A_245 = arith.index_cast %add3A_244 : i32 to index
      %get3A_246 = tpu.vector_load %arg6[%get3A_245] {strides = array<i32>} : memref<4992xi32, #tpu.memory_space<vmem>>, vector<16xi32>,
      %gather3A_247 = tpu.vector_load_idx %arg11[%get3A_246] : memref<10240xf32, #tpu.memory_space<vmem>>[vector<16xi32>], vector<16xf32>,
      %mul3A_248 = arith.constant 64 : i32
      %mul3A_249 = arith.muli %scan3A_196, %mul3A_248 : i32
      %add3A_250 = arith.constant 48 : i32
      %add3A_251 = arith.addi %mul3A_249, %add3A_250 : i32
      %multiple_of3A_252 = tpu.assume_multiple %add3A_251, 16 : i32
      %swap3A_253 = arith.index_cast %multiple_of3A_252 : i32 to index
      %swap3A_254 = tpu.vector_load %arg12[%swap3A_253] {strides = array<i32>} : memref<2432xf32, #tpu.memory_space<vmem>>, vector<16xf32>,
      tpu.vector_store %arg12[%swap3A_253], %gather3A_247 {strides = array<i32>} : memref<2432xf32, #tpu.memory_space<vmem>>, vector<16xf32>,
      %mul3A_255 = arith.mulf %gather3A_247, %gather3A_247 : vector<16xf32>
      %add3A_256 = arith.addf %add3A_242, %mul3A_255 : vector<16xf32>
      scf.yield %add3A_256 : vector<16xf32>
    }
    %scan3A_58 = arith.constant 38 : i32
    %dma_start3A_59 = arith.constant 0 : i32
    %dma_start3A_60 = tpu.memref_slice %arg17[%dma_start3A_59] : memref<10240xf32, #tpu.memory_space<vmem_shared>> -> memref<10240xf32, #tpu.memory_space<vmem_shared>>
    tpu.enqueue_indirect_dma source(%arg12 : memref<2432xf32, #tpu.memory_space<vmem>>) target(%dma_start3A_60 : memref<10240xf32, #tpu.memory_space<vmem_shared>>) offsets(%arg7 : memref<2432xi32, #tpu.memory_space<vmem>>) semaphore(%arg19 : memref<!tpu.dma_semaphore, #tpu.memory_space<semaphore_mem>>) {add = true}
    %scan3A_61 = arith.constant 0 : i32
    %scan3A_62 = arith.constant 40 : i32
    %scan3A_63 = arith.addi %scan3A_61, %scan3A_62 : i32
    %scan3A_64 = arith.constant 1 : i32
    %scan3A_65 = scf.for %scan3A_196 = %scan3A_61 to %scan3A_63 step %scan3A_64 iter_args(%scan3A_197 = %scan3A_57) -> (vector<16xf32>)  : i32 {
      %mul3A_198 = arith.constant 64 : i32
      %mul3A_199 = arith.muli %scan3A_196, %mul3A_198 : i32
      %add3A_200 = arith.constant 2432 : i32
      %add3A_201 = arith.addi %add3A_200, %mul3A_199 : i32
      %multiple_of3A_202 = tpu.assume_multiple %add3A_201, 64 : i32
      %add3A_203 = arith.constant 0 : i32
      %add3A_204 = arith.addi %multiple_of3A_202, %add3A_203 : i32
      %get3A = arith.index_cast %add3A_204 : i32 to index
      %get3A_205 = tpu.vector_load %arg6[%get3A] {strides = array<i32>} : memref<4992xi32, #tpu.memory_space<vmem>>, vector<16xi32>,
      %gather3A = tpu.vector_load_idx %arg11[%get3A_205] : memref<10240xf32, #tpu.memory_space<vmem>>[vector<16xi32>], vector<16xf32>,
      %mul3A_206 = arith.constant 64 : i32
      %mul3A_207 = arith.muli %scan3A_196, %mul3A_206 : i32
      %add3A_208 = arith.constant 0 : i32
      %add3A_209 = arith.addi %mul3A_207, %add3A_208 : i32
      %multiple_of3A_210 = tpu.assume_multiple %add3A_209, 16 : i32
      %swap3A_211 = arith.index_cast %multiple_of3A_210 : i32 to index
      %swap3A_212 = tpu.vector_load %arg13[%swap3A_211] {strides = array<i32>} : memref<2560xf32, #tpu.memory_space<vmem>>, vector<16xf32>,
      tpu.vector_store %arg13[%swap3A_211], %gather3A {strides = array<i32>} : memref<2560xf32, #tpu.memory_space<vmem>>, vector<16xf32>,
      %mul3A_213 = arith.mulf %gather3A, %gather3A : vector<16xf32>
      %add3A_214 = arith.addf %scan3A_197, %mul3A_213 : vector<16xf32>
      %add3A_215 = arith.constant 16 : i32
      %add3A_216 = arith.addi %multiple_of3A_202, %add3A_215 : i32
      %get3A_217 = arith.index_cast %add3A_216 : i32 to index
      %get3A_218 = tpu.vector_load %arg6[%get3A_217] {strides = array<i32>} : memref<4992xi32, #tpu.memory_space<vmem>>, vector<16xi32>,
      %gather3A_219 = tpu.vector_load_idx %arg11[%get3A_218] : memref<10240xf32, #tpu.memory_space<vmem>>[vector<16xi32>], vector<16xf32>,
      %mul3A_220 = arith.constant 64 : i32
      %mul3A_221 = arith.muli %scan3A_196, %mul3A_220 : i32
      %add3A_222 = arith.constant 16 : i32
      %add3A_223 = arith.addi %mul3A_221, %add3A_222 : i32
      %multiple_of3A_224 = tpu.assume_multiple %add3A_223, 16 : i32
      %swap3A_225 = arith.index_cast %multiple_of3A_224 : i32 to index
      %swap3A_226 = tpu.vector_load %arg13[%swap3A_225] {strides = array<i32>} : memref<2560xf32, #tpu.memory_space<vmem>>, vector<16xf32>,
      tpu.vector_store %arg13[%swap3A_225], %gather3A_219 {strides = array<i32>} : memref<2560xf32, #tpu.memory_space<vmem>>, vector<16xf32>,
      %mul3A_227 = arith.mulf %gather3A_219, %gather3A_219 : vector<16xf32>
      %add3A_228 = arith.addf %add3A_214, %mul3A_227 : vector<16xf32>
      %add3A_229 = arith.constant 32 : i32
      %add3A_230 = arith.addi %multiple_of3A_202, %add3A_229 : i32
      %get3A_231 = arith.index_cast %add3A_230 : i32 to index
      %get3A_232 = tpu.vector_load %arg6[%get3A_231] {strides = array<i32>} : memref<4992xi32, #tpu.memory_space<vmem>>, vector<16xi32>,
      %gather3A_233 = tpu.vector_load_idx %arg11[%get3A_232] : memref<10240xf32, #tpu.memory_space<vmem>>[vector<16xi32>], vector<16xf32>,
      %mul3A_234 = arith.constant 64 : i32
      %mul3A_235 = arith.muli %scan3A_196, %mul3A_234 : i32
      %add3A_236 = arith.constant 32 : i32
      %add3A_237 = arith.addi %mul3A_235, %add3A_236 : i32
      %multiple_of3A_238 = tpu.assume_multiple %add3A_237, 16 : i32
      %swap3A_239 = arith.index_cast %multiple_of3A_238 : i32 to index
      %swap3A_240 = tpu.vector_load %arg13[%swap3A_239] {strides = array<i32>} : memref<2560xf32, #tpu.memory_space<vmem>>, vector<16xf32>,
      tpu.vector_store %arg13[%swap3A_239], %gather3A_233 {strides = array<i32>} : memref<2560xf32, #tpu.memory_space<vmem>>, vector<16xf32>,
      %mul3A_241 = arith.mulf %gather3A_233, %gather3A_233 : vector<16xf32>
      %add3A_242 = arith.addf %add3A_228, %mul3A_241 : vector<16xf32>
      %add3A_243 = arith.constant 48 : i32
      %add3A_244 = arith.addi %multiple_of3A_202, %add3A_243 : i32
      %get3A_245 = arith.index_cast %add3A_244 : i32 to index
      %get3A_246 = tpu.vector_load %arg6[%get3A_245] {strides = array<i32>} : memref<4992xi32, #tpu.memory_space<vmem>>, vector<16xi32>,
      %gather3A_247 = tpu.vector_load_idx %arg11[%get3A_246] : memref<10240xf32, #tpu.memory_space<vmem>>[vector<16xi32>], vector<16xf32>,
      %mul3A_248 = arith.constant 64 : i32
      %mul3A_249 = arith.muli %scan3A_196, %mul3A_248 : i32
      %add3A_250 = arith.constant 48 : i32
      %add3A_251 = arith.addi %mul3A_249, %add3A_250 : i32
      %multiple_of3A_252 = tpu.assume_multiple %add3A_251, 16 : i32
      %swap3A_253 = arith.index_cast %multiple_of3A_252 : i32 to index
      %swap3A_254 = tpu.vector_load %arg13[%swap3A_253] {strides = array<i32>} : memref<2560xf32, #tpu.memory_space<vmem>>, vector<16xf32>,
      tpu.vector_store %arg13[%swap3A_253], %gather3A_247 {strides = array<i32>} : memref<2560xf32, #tpu.memory_space<vmem>>, vector<16xf32>,
      %mul3A_255 = arith.mulf %gather3A_247, %gather3A_247 : vector<16xf32>
      %add3A_256 = arith.addf %add3A_242, %mul3A_255 : vector<16xf32>
      scf.yield %add3A_256 : vector<16xf32>
    }
    %scan3A_66 = arith.constant 40 : i32
    %dma_start3A_67 = arith.constant 0 : i32
    %dma_start3A_68 = tpu.memref_slice %arg17[%dma_start3A_67] : memref<10240xf32, #tpu.memory_space<vmem_shared>> -> memref<10240xf32, #tpu.memory_space<vmem_shared>>
    tpu.enqueue_indirect_dma source(%arg13 : memref<2560xf32, #tpu.memory_space<vmem>>) target(%dma_start3A_68 : memref<10240xf32, #tpu.memory_space<vmem_shared>>) offsets(%arg8 : memref<2560xi32, #tpu.memory_space<vmem>>) semaphore(%arg19 : memref<!tpu.dma_semaphore, #tpu.memory_space<semaphore_mem>>) {add = true}
    %convert_element_type3A_69 = arith.extui %lt3A_10 : i1 to i32
    %cond3A_70 = arith.constant 0 : i32
    %cond3A_71 = arith.cmpi ne, %convert_element_type3A_69, %cond3A_70 : i32
    scf.if %cond3A_71 {
      %scan3A_196 = arith.constant 0 : i32
      %scan3A_197 = arith.constant 8 : i32
      %scan3A_198 = arith.addi %scan3A_196, %scan3A_197 : i32
      %scan3A_199 = arith.constant 1 : i32
      scf.for %scan3A_201 = %scan3A_196 to %scan3A_198 step %scan3A_199  : i32 {
        %mul3A_202 = arith.constant 16 : i32
        %mul3A_203 = arith.muli %scan3A_201, %mul3A_202 : i32
        %add3A_204 = arith.constant 0 : i32
        %add3A_205 = arith.addi %add3A_204, %mul3A_203 : i32
        %get3A = arith.index_cast %add3A_205 : i32 to index
        %get3A_206 = tpu.vector_load %arg9[%get3A] {strides = array<i32>} : memref<128xi32, #tpu.memory_space<vmem>>, vector<16xi32>,
        %gather3A = tpu.vector_load_idx %arg11[%get3A_206] : memref<10240xf32, #tpu.memory_space<vmem>>[vector<16xi32>], vector<16xf32>,
        %swap3A_207 = arith.index_cast %add3A_205 : i32 to index
        %swap3A_208 = tpu.vector_load %arg14[%swap3A_207] {strides = array<i32>} : memref<128xf32, #tpu.memory_space<vmem>>, vector<16xf32>,
        tpu.vector_store %arg14[%swap3A_207], %gather3A {strides = array<i32>} : memref<128xf32, #tpu.memory_space<vmem>>, vector<16xf32>,
      }
      %scan3A_200 = arith.constant 8 : i32
    } else {
    }
    %convert_element_type3A_72 = arith.extui %lt3A_10 : i1 to i32
    %cond3A_73 = arith.constant 0 : i32
    %cond3A_74 = arith.cmpi ne, %convert_element_type3A_72, %cond3A_73 : i32
    scf.if %cond3A_74 {
      %dma_start3A_196 = arith.constant 0 : i32
      %dma_start3A_197 = tpu.memref_slice %arg17[%dma_start3A_196] : memref<10240xf32, #tpu.memory_space<vmem_shared>> -> memref<10240xf32, #tpu.memory_space<vmem_shared>>
      tpu.enqueue_indirect_dma source(%arg14 : memref<128xf32, #tpu.memory_space<vmem>>) target(%dma_start3A_197 : memref<10240xf32, #tpu.memory_space<vmem_shared>>) offsets(%arg10 : memref<128xi32, #tpu.memory_space<vmem>>) semaphore(%arg19 : memref<!tpu.dma_semaphore, #tpu.memory_space<semaphore_mem>>) {add = true}
      %dma_wait3A_198 = arith.constant 0 : i32
      %dma_wait3A_199 = tpu.memref_slice %arg17[%dma_wait3A_198] : memref<10240xf32, #tpu.memory_space<vmem_shared>> -> memref<10240xf32, #tpu.memory_space<vmem_shared>>
      tpu.wait_indirect_dma semaphore(%arg19 : memref<!tpu.dma_semaphore, #tpu.memory_space<semaphore_mem>>) src(%arg14 : memref<128xf32, #tpu.memory_space<vmem>>) dst(%dma_wait3A_199 : memref<10240xf32, #tpu.memory_space<vmem_shared>>)
    } else {
    }
    %scan3A_75 = arith.constant 0 : i32
    %scan3A_76 = arith.constant 8 : i32
    %scan3A_77 = arith.addi %scan3A_75, %scan3A_76 : i32
    %scan3A_78 = arith.constant 1 : i32
    %scan3A_79 = scf.for %scan3A_196 = %scan3A_75 to %scan3A_77 step %scan3A_78 iter_args(%scan3A_197 = %scan3A_65) -> (vector<16xf32>)  : i32 {
      %mul3A_198 = arith.constant 16 : i32
      %mul3A_199 = arith.muli %scan3A_196, %mul3A_198 : i32
      %multiple_of3A_200 = tpu.assume_multiple %mul3A_199, 16 : i32
      %get3A = arith.index_cast %multiple_of3A_200 : i32 to index
      %get3A_201 = tpu.vector_load %arg14[%get3A] {strides = array<i32>} : memref<128xf32, #tpu.memory_space<vmem>>, vector<16xf32>,
      %mul3A_202 = arith.mulf %get3A_201, %get3A_201 : vector<16xf32>
      %add3A_203 = arith.addf %scan3A_197, %mul3A_202 : vector<16xf32>
      scf.yield %add3A_203 : vector<16xf32>
    }
    %scan3A_80 = arith.constant 8 : i32
    %swap3A = arith.constant 0 : index
    %swap3A_81 = tpu.vector_load %arg16[%swap3A] {strides = array<i32>} : memref<16xf32, #tpu.memory_space<vmem>>, vector<16xf32>,
    tpu.vector_store %arg16[%swap3A], %scan3A_79 {strides = array<i32>} : memref<16xf32, #tpu.memory_space<vmem>>, vector<16xf32>,
    %jit3A = arith.constant 8 : i32
    %div3A = arith.divsi %add3A, %jit3A : i32
    %sign3A = arith.constant 0 : i32
    %sign3A_82 = arith.cmpi sgt, %add3A, %sign3A : i32
    %sign3A_83 = arith.extui %sign3A_82 : i1 to i32
    %sign3A_84 = arith.constant 0 : i32
    %sign3A_85 = arith.cmpi slt, %add3A, %sign3A_84 : i32
    %sign3A_86 = arith.extui %sign3A_85 : i1 to i32
    %sign3A_87 = arith.subi %sign3A_83, %sign3A_86 : i32
    %sign3A_88 = arith.constant 0 : i32
    %sign3A_89 = arith.cmpi sgt, %jit3A, %sign3A_88 : i32
    %sign3A_90 = arith.extui %sign3A_89 : i1 to i32
    %sign3A_91 = arith.constant 0 : i32
    %sign3A_92 = arith.cmpi slt, %jit3A, %sign3A_91 : i32
    %sign3A_93 = arith.extui %sign3A_92 : i1 to i32
    %sign3A_94 = arith.subi %sign3A_90, %sign3A_93 : i32
    %ne3A = arith.cmpi ne, %sign3A_87, %sign3A_94 : i32
    %rem3A = arith.remsi %add3A, %jit3A : i32
    %ne3A_95 = arith.constant 0 : i32
    %ne3A_96 = arith.cmpi ne, %rem3A, %ne3A_95 : i32
    %and3A = arith.andi %ne3A, %ne3A_96 : i1
    %sub3A = arith.constant 1 : i32
    %sub3A_97 = arith.subi %div3A, %sub3A : i32
    %select_n3A = arith.select %and3A, %sub3A_97, %div3A : i32
    %jit3A_98 = arith.constant 8 : i32
    %eq3A = arith.constant 0 : i32
    %eq3A_99 = arith.cmpi eq, %jit3A_98, %eq3A : i32
    %jit3A_100 = arith.constant 1 : i32
    %select_n3A_101 = arith.select %eq3A_99, %jit3A_100, %jit3A_98 : i32
    %rem3A_102 = arith.remsi %add3A, %select_n3A_101 : i32
    %ne3A_103 = arith.constant 0 : i32
    %ne3A_104 = arith.cmpi ne, %rem3A_102, %ne3A_103 : i32
    %lt3A_105 = arith.constant 0 : i32
    %lt3A_106 = arith.cmpi slt, %rem3A_102, %lt3A_105 : i32
    %lt3A_107 = arith.constant 0 : i32
    %lt3A_108 = arith.cmpi slt, %select_n3A_101, %lt3A_107 : i32
    %ne3A_109 = arith.xori %lt3A_106, %lt3A_108 : i1
    %and3A_110 = arith.andi %ne3A_109, %ne3A_104 : i1
    %add3A_111 = arith.addi %rem3A_102, %select_n3A_101 : i32
    %select_n3A_112 = arith.select %and3A_110, %add3A_111, %rem3A_102 : i32
    %mul3A_113 = arith.constant 16 : i32
    %mul3A_114 = arith.muli %select_n3A_112, %mul3A_113 : i32
    %multiple_of3A_115 = tpu.assume_multiple %mul3A_114, 16 : i32
    "tpu.region"() ({
      %run_scoped3A = tpu.sem_alloc : memref<!tpu.dma_semaphore, #tpu.memory_space<semaphore_mem>>
      %dma_start3A_196 = tpu.memref_slice %arg5[%select_n3A, %multiple_of3A_115] : memref<8x128xf32, #tpu.memory_space<hbm>> -> memref<1x16xf32, #tpu.memory_space<hbm>>
      %dma_start3A_197 = tpu.memref_squeeze %dma_start3A_196 : memref<1x16xf32, #tpu.memory_space<hbm>> -> memref<16xf32, #tpu.memory_space<hbm>>
      %dma_start3A_198 = tpu.memref_slice %arg5[%select_n3A, %multiple_of3A_115] : memref<8x128xf32, #tpu.memory_space<hbm>> -> memref<1x16xf32, #tpu.memory_space<hbm>>
      %dma_start3A_199 = tpu.memref_squeeze %dma_start3A_198 : memref<1x16xf32, #tpu.memory_space<hbm>> -> memref<16xf32, #tpu.memory_space<hbm>>
      tpu.enqueue_dma source(%arg16 : memref<16xf32, #tpu.memory_space<vmem>>) target(%dma_start3A_199 : memref<16xf32, #tpu.memory_space<hbm>>) target_semaphore(%run_scoped3A : memref<!tpu.dma_semaphore, #tpu.memory_space<semaphore_mem>>)
      %dma_wait3A_200 = tpu.memref_slice %arg5[%select_n3A, %multiple_of3A_115] : memref<8x128xf32, #tpu.memory_space<hbm>> -> memref<1x16xf32, #tpu.memory_space<hbm>>
      %dma_wait3A_201 = tpu.memref_squeeze %dma_wait3A_200 : memref<1x16xf32, #tpu.memory_space<hbm>> -> memref<16xf32, #tpu.memory_space<hbm>>
      %dma_wait3A_202 = tpu.memref_slice %arg5[%select_n3A, %multiple_of3A_115] : memref<8x128xf32, #tpu.memory_space<hbm>> -> memref<1x16xf32, #tpu.memory_space<hbm>>
      %dma_wait3A_203 = tpu.memref_squeeze %dma_wait3A_202 : memref<1x16xf32, #tpu.memory_space<hbm>> -> memref<16xf32, #tpu.memory_space<hbm>>
      tpu.wait_dma2 semaphore(%run_scoped3A : memref<!tpu.dma_semaphore, #tpu.memory_space<semaphore_mem>>) src(%arg16 : memref<16xf32, #tpu.memory_space<vmem>>) dst(%dma_wait3A_203 : memref<16xf32, #tpu.memory_space<hbm>>)
      tpu.yield
    }) : () -> ()
    %dma_wait3A_116 = arith.constant 0 : i32
    %dma_wait3A_117 = tpu.memref_slice %arg17[%dma_wait3A_116] : memref<10240xf32, #tpu.memory_space<vmem_shared>> -> memref<10240xf32, #tpu.memory_space<vmem_shared>>
    tpu.wait_indirect_dma semaphore(%arg19 : memref<!tpu.dma_semaphore, #tpu.memory_space<semaphore_mem>>) src(%arg12 : memref<2432xf32, #tpu.memory_space<vmem>>) dst(%dma_wait3A_117 : memref<10240xf32, #tpu.memory_space<vmem_shared>>)
    %dma_wait3A_118 = arith.constant 0 : i32
    %dma_wait3A_119 = tpu.memref_slice %arg17[%dma_wait3A_118] : memref<10240xf32, #tpu.memory_space<vmem_shared>> -> memref<10240xf32, #tpu.memory_space<vmem_shared>>
    tpu.wait_indirect_dma semaphore(%arg19 : memref<!tpu.dma_semaphore, #tpu.memory_space<semaphore_mem>>) src(%arg13 : memref<2560xf32, #tpu.memory_space<vmem>>) dst(%dma_wait3A_119 : memref<10240xf32, #tpu.memory_space<vmem_shared>>)
    %barrier3A_120 = arith.constant 0 : index
    tpu.barrier barrier_id(%barrier3A_120)
    %add3A_121 = arith.constant 0 : i32
    %add3A_122 = arith.addi %multiple_of3A, %add3A_121 : i32
    %multiple_of3A_123 = tpu.assume_multiple %add3A_122, 128 : i32
    %mul3A_124 = arith.constant 5 : i32
    %mul3A_125 = arith.muli %arg1, %mul3A_124 : i32
    %add3A_126 = arith.constant 0 : i32
    %add3A_127 = arith.addi %mul3A_125, %add3A_126 : i32
    %dma_start3A_128 = arith.constant 0 : i32
    %dma_start3A_129 = tpu.memref_slice %arg4[%arg0, %add3A_127, %dma_start3A_128] : memref<2x80x128xf32, #tpu.memory_space<hbm>> -> memref<1x1x128xf32, #tpu.memory_space<hbm>>
    %dma_start3A_130 = tpu.memref_squeeze %dma_start3A_129 : memref<1x1x128xf32, #tpu.memory_space<hbm>> -> memref<128xf32, #tpu.memory_space<hbm>>
    %dma_start3A_131 = tpu.memref_slice %arg17[%multiple_of3A_123] : memref<10240xf32, #tpu.memory_space<vmem_shared>> -> memref<128xf32, #tpu.memory_space<vmem_shared>>
    tpu.enqueue_dma source(%dma_start3A_131 : memref<128xf32, #tpu.memory_space<vmem_shared>>) target(%dma_start3A_130 : memref<128xf32, #tpu.memory_space<hbm>>) target_semaphore(%arg18 : memref<!tpu.dma_semaphore, #tpu.memory_space<semaphore_mem>>)
    %add3A_132 = arith.constant 128 : i32
    %add3A_133 = arith.addi %multiple_of3A, %add3A_132 : i32
    %multiple_of3A_134 = tpu.assume_multiple %add3A_133, 128 : i32
    %mul3A_135 = arith.constant 5 : i32
    %mul3A_136 = arith.muli %arg1, %mul3A_135 : i32
    %add3A_137 = arith.constant 1 : i32
    %add3A_138 = arith.addi %mul3A_136, %add3A_137 : i32
    %dma_start3A_139 = arith.constant 0 : i32
    %dma_start3A_140 = tpu.memref_slice %arg4[%arg0, %add3A_138, %dma_start3A_139] : memref<2x80x128xf32, #tpu.memory_space<hbm>> -> memref<1x1x128xf32, #tpu.memory_space<hbm>>
    %dma_start3A_141 = tpu.memref_squeeze %dma_start3A_140 : memref<1x1x128xf32, #tpu.memory_space<hbm>> -> memref<128xf32, #tpu.memory_space<hbm>>
    %dma_start3A_142 = tpu.memref_slice %arg17[%multiple_of3A_134] : memref<10240xf32, #tpu.memory_space<vmem_shared>> -> memref<128xf32, #tpu.memory_space<vmem_shared>>
    tpu.enqueue_dma source(%dma_start3A_142 : memref<128xf32, #tpu.memory_space<vmem_shared>>) target(%dma_start3A_141 : memref<128xf32, #tpu.memory_space<hbm>>) target_semaphore(%arg18 : memref<!tpu.dma_semaphore, #tpu.memory_space<semaphore_mem>>)
    %add3A_143 = arith.constant 256 : i32
    %add3A_144 = arith.addi %multiple_of3A, %add3A_143 : i32
    %multiple_of3A_145 = tpu.assume_multiple %add3A_144, 128 : i32
    %mul3A_146 = arith.constant 5 : i32
    %mul3A_147 = arith.muli %arg1, %mul3A_146 : i32
    %add3A_148 = arith.constant 2 : i32
    %add3A_149 = arith.addi %mul3A_147, %add3A_148 : i32
    %dma_start3A_150 = arith.constant 0 : i32
    %dma_start3A_151 = tpu.memref_slice %arg4[%arg0, %add3A_149, %dma_start3A_150] : memref<2x80x128xf32, #tpu.memory_space<hbm>> -> memref<1x1x128xf32, #tpu.memory_space<hbm>>
    %dma_start3A_152 = tpu.memref_squeeze %dma_start3A_151 : memref<1x1x128xf32, #tpu.memory_space<hbm>> -> memref<128xf32, #tpu.memory_space<hbm>>
    %dma_start3A_153 = tpu.memref_slice %arg17[%multiple_of3A_145] : memref<10240xf32, #tpu.memory_space<vmem_shared>> -> memref<128xf32, #tpu.memory_space<vmem_shared>>
    tpu.enqueue_dma source(%dma_start3A_153 : memref<128xf32, #tpu.memory_space<vmem_shared>>) target(%dma_start3A_152 : memref<128xf32, #tpu.memory_space<hbm>>) target_semaphore(%arg18 : memref<!tpu.dma_semaphore, #tpu.memory_space<semaphore_mem>>)
    %add3A_154 = arith.constant 384 : i32
    %add3A_155 = arith.addi %multiple_of3A, %add3A_154 : i32
    %multiple_of3A_156 = tpu.assume_multiple %add3A_155, 128 : i32
    %mul3A_157 = arith.constant 5 : i32
    %mul3A_158 = arith.muli %arg1, %mul3A_157 : i32
    %add3A_159 = arith.constant 3 : i32
    %add3A_160 = arith.addi %mul3A_158, %add3A_159 : i32
    %dma_start3A_161 = arith.constant 0 : i32
    %dma_start3A_162 = tpu.memref_slice %arg4[%arg0, %add3A_160, %dma_start3A_161] : memref<2x80x128xf32, #tpu.memory_space<hbm>> -> memref<1x1x128xf32, #tpu.memory_space<hbm>>
    %dma_start3A_163 = tpu.memref_squeeze %dma_start3A_162 : memref<1x1x128xf32, #tpu.memory_space<hbm>> -> memref<128xf32, #tpu.memory_space<hbm>>
    %dma_start3A_164 = tpu.memref_slice %arg17[%multiple_of3A_156] : memref<10240xf32, #tpu.memory_space<vmem_shared>> -> memref<128xf32, #tpu.memory_space<vmem_shared>>
    tpu.enqueue_dma source(%dma_start3A_164 : memref<128xf32, #tpu.memory_space<vmem_shared>>) target(%dma_start3A_163 : memref<128xf32, #tpu.memory_space<hbm>>) target_semaphore(%arg18 : memref<!tpu.dma_semaphore, #tpu.memory_space<semaphore_mem>>)
    %add3A_165 = arith.constant 512 : i32
    %add3A_166 = arith.addi %multiple_of3A, %add3A_165 : i32
    %multiple_of3A_167 = tpu.assume_multiple %add3A_166, 128 : i32
    %mul3A_168 = arith.constant 5 : i32
    %mul3A_169 = arith.muli %arg1, %mul3A_168 : i32
    %add3A_170 = arith.constant 4 : i32
    %add3A_171 = arith.addi %mul3A_169, %add3A_170 : i32
    %dma_start3A_172 = arith.constant 0 : i32
    %dma_start3A_173 = tpu.memref_slice %arg4[%arg0, %add3A_171, %dma_start3A_172] : memref<2x80x128xf32, #tpu.memory_space<hbm>> -> memref<1x1x128xf32, #tpu.memory_space<hbm>>
    %dma_start3A_174 = tpu.memref_squeeze %dma_start3A_173 : memref<1x1x128xf32, #tpu.memory_space<hbm>> -> memref<128xf32, #tpu.memory_space<hbm>>
    %dma_start3A_175 = tpu.memref_slice %arg17[%multiple_of3A_167] : memref<10240xf32, #tpu.memory_space<vmem_shared>> -> memref<128xf32, #tpu.memory_space<vmem_shared>>
    tpu.enqueue_dma source(%dma_start3A_175 : memref<128xf32, #tpu.memory_space<vmem_shared>>) target(%dma_start3A_174 : memref<128xf32, #tpu.memory_space<hbm>>) target_semaphore(%arg18 : memref<!tpu.dma_semaphore, #tpu.memory_space<semaphore_mem>>)
    %dma_wait3A_176 = arith.constant 0 : i32
    %dma_wait3A_177 = tpu.memref_slice %arg4[%arg0, %add3A_127, %dma_wait3A_176] : memref<2x80x128xf32, #tpu.memory_space<hbm>> -> memref<1x1x128xf32, #tpu.memory_space<hbm>>
    %dma_wait3A_178 = tpu.memref_squeeze %dma_wait3A_177 : memref<1x1x128xf32, #tpu.memory_space<hbm>> -> memref<128xf32, #tpu.memory_space<hbm>>
    %dma_wait3A_179 = tpu.memref_slice %arg17[%multiple_of3A_123] : memref<10240xf32, #tpu.memory_space<vmem_shared>> -> memref<128xf32, #tpu.memory_space<vmem_shared>>
    tpu.wait_dma2 semaphore(%arg18 : memref<!tpu.dma_semaphore, #tpu.memory_space<semaphore_mem>>) src(%dma_wait3A_179 : memref<128xf32, #tpu.memory_space<vmem_shared>>) dst(%dma_wait3A_178 : memref<128xf32, #tpu.memory_space<hbm>>)
    %dma_wait3A_180 = arith.constant 0 : i32
    %dma_wait3A_181 = tpu.memref_slice %arg4[%arg0, %add3A_138, %dma_wait3A_180] : memref<2x80x128xf32, #tpu.memory_space<hbm>> -> memref<1x1x128xf32, #tpu.memory_space<hbm>>
    %dma_wait3A_182 = tpu.memref_squeeze %dma_wait3A_181 : memref<1x1x128xf32, #tpu.memory_space<hbm>> -> memref<128xf32, #tpu.memory_space<hbm>>
    %dma_wait3A_183 = tpu.memref_slice %arg17[%multiple_of3A_134] : memref<10240xf32, #tpu.memory_space<vmem_shared>> -> memref<128xf32, #tpu.memory_space<vmem_shared>>
    tpu.wait_dma2 semaphore(%arg18 : memref<!tpu.dma_semaphore, #tpu.memory_space<semaphore_mem>>) src(%dma_wait3A_183 : memref<128xf32, #tpu.memory_space<vmem_shared>>) dst(%dma_wait3A_182 : memref<128xf32, #tpu.memory_space<hbm>>)
    %dma_wait3A_184 = arith.constant 0 : i32
    %dma_wait3A_185 = tpu.memref_slice %arg4[%arg0, %add3A_149, %dma_wait3A_184] : memref<2x80x128xf32, #tpu.memory_space<hbm>> -> memref<1x1x128xf32, #tpu.memory_space<hbm>>
    %dma_wait3A_186 = tpu.memref_squeeze %dma_wait3A_185 : memref<1x1x128xf32, #tpu.memory_space<hbm>> -> memref<128xf32, #tpu.memory_space<hbm>>
    %dma_wait3A_187 = tpu.memref_slice %arg17[%multiple_of3A_145] : memref<10240xf32, #tpu.memory_space<vmem_shared>> -> memref<128xf32, #tpu.memory_space<vmem_shared>>
    tpu.wait_dma2 semaphore(%arg18 : memref<!tpu.dma_semaphore, #tpu.memory_space<semaphore_mem>>) src(%dma_wait3A_187 : memref<128xf32, #tpu.memory_space<vmem_shared>>) dst(%dma_wait3A_186 : memref<128xf32, #tpu.memory_space<hbm>>)
    %dma_wait3A_188 = arith.constant 0 : i32
    %dma_wait3A_189 = tpu.memref_slice %arg4[%arg0, %add3A_160, %dma_wait3A_188] : memref<2x80x128xf32, #tpu.memory_space<hbm>> -> memref<1x1x128xf32, #tpu.memory_space<hbm>>
    %dma_wait3A_190 = tpu.memref_squeeze %dma_wait3A_189 : memref<1x1x128xf32, #tpu.memory_space<hbm>> -> memref<128xf32, #tpu.memory_space<hbm>>
    %dma_wait3A_191 = tpu.memref_slice %arg17[%multiple_of3A_156] : memref<10240xf32, #tpu.memory_space<vmem_shared>> -> memref<128xf32, #tpu.memory_space<vmem_shared>>
    tpu.wait_dma2 semaphore(%arg18 : memref<!tpu.dma_semaphore, #tpu.memory_space<semaphore_mem>>) src(%dma_wait3A_191 : memref<128xf32, #tpu.memory_space<vmem_shared>>) dst(%dma_wait3A_190 : memref<128xf32, #tpu.memory_space<hbm>>)
    %dma_wait3A_192 = arith.constant 0 : i32
    %dma_wait3A_193 = tpu.memref_slice %arg4[%arg0, %add3A_171, %dma_wait3A_192] : memref<2x80x128xf32, #tpu.memory_space<hbm>> -> memref<1x1x128xf32, #tpu.memory_space<hbm>>
    %dma_wait3A_194 = tpu.memref_squeeze %dma_wait3A_193 : memref<1x1x128xf32, #tpu.memory_space<hbm>> -> memref<128xf32, #tpu.memory_space<hbm>>
    %dma_wait3A_195 = tpu.memref_slice %arg17[%multiple_of3A_167] : memref<10240xf32, #tpu.memory_space<vmem_shared>> -> memref<128xf32, #tpu.memory_space<vmem_shared>>
    tpu.wait_dma2 semaphore(%arg18 : memref<!tpu.dma_semaphore, #tpu.memory_space<semaphore_mem>>) src(%dma_wait3A_195 : memref<128xf32, #tpu.memory_space<vmem_shared>>) dst(%dma_wait3A_194 : memref<128xf32, #tpu.memory_space<hbm>>)
    return
  }
}

module attributes {stable_mosaic.version = 14 : i64} {
  func.func @_final_body(%arg0: memref<80x128xf32, #tpu.memory_space<vmem>>, %arg1: memref<2x80x128xf32, #tpu.memory_space<vmem>>, %arg2: memref<8x128xf32, #tpu.memory_space<vmem>>, %arg3: memref<1x1xf32, #tpu.memory_space<vmem>>) attributes {dimension_semantics = [], scalar_prefetch = 0 : i64, scratch_operands = 0 : i64, tpu.core_type = #tpu.core_type<tc>} {
    %get3A = arith.constant 0 : index
    %get3A_0 = arith.constant 0 : index
    %get3A_1 = arith.constant 0 : index
    %get3A_2 = vector.load %arg1[%get3A, %get3A_0, %get3A_1] : memref<2x80x128xf32, #tpu.memory_space<vmem>>, vector<1x80x128xf32>
    %get3A_3 = vector.shape_cast %get3A_2 : vector<1x80x128xf32> to vector<80x128xf32>
    %get3A_4 = arith.constant 1 : index
    %get3A_5 = arith.constant 0 : index
    %get3A_6 = arith.constant 0 : index
    %get3A_7 = vector.load %arg1[%get3A_4, %get3A_5, %get3A_6] : memref<2x80x128xf32, #tpu.memory_space<vmem>>, vector<1x80x128xf32>
    %get3A_8 = vector.shape_cast %get3A_7 : vector<1x80x128xf32> to vector<80x128xf32>
    %add3A = arith.addf %get3A_3, %get3A_8 : vector<80x128xf32>
    %get3A_9 = arith.constant 0 : index
    %get3A_10 = arith.constant 0 : index
    %get3A_11 = vector.load %arg0[%get3A_9, %get3A_10] : memref<80x128xf32, #tpu.memory_space<vmem>>, vector<80x128xf32>
    %sub3A = arith.subf %get3A_11, %add3A : vector<80x128xf32>
    %mul3A = arith.mulf %sub3A, %sub3A : vector<80x128xf32>
    %reduce_sum3A = vector.shape_cast %mul3A : vector<80x128xf32> to vector<1x80x128xf32>
    %reduce_sum3A_12 = arith.constant dense<0.000000e+00> : vector<1xf32>
    %reduce_sum3A_13 = vector.multi_reduction <add>, %reduce_sum3A, %reduce_sum3A_12 [1, 2] : vector<1x80x128xf32> to vector<1xf32>
    %reduce_sum3A_14 = vector.shape_cast %reduce_sum3A_13 : vector<1xf32> to vector<1x1x1xf32>
    %reduce_sum3A_15 = vector.extract %reduce_sum3A_14[0, 0, 0] : f32 from vector<1x1x1xf32>
    %get3A_16 = arith.constant 0 : index
    %get3A_17 = arith.constant 0 : index
    %get3A_18 = vector.load %arg2[%get3A_16, %get3A_17] : memref<8x128xf32, #tpu.memory_space<vmem>>, vector<4x128xf32>
    %reduce_sum3A_19 = vector.shape_cast %get3A_18 : vector<4x128xf32> to vector<1x4x128xf32>
    %reduce_sum3A_20 = arith.constant dense<0.000000e+00> : vector<1xf32>
    %reduce_sum3A_21 = vector.multi_reduction <add>, %reduce_sum3A_19, %reduce_sum3A_20 [1, 2] : vector<1x4x128xf32> to vector<1xf32>
    %reduce_sum3A_22 = vector.shape_cast %reduce_sum3A_21 : vector<1xf32> to vector<1x1x1xf32>
    %reduce_sum3A_23 = vector.extract %reduce_sum3A_22[0, 0, 0] : f32 from vector<1x1x1xf32>
    %div3A = arith.divf %reduce_sum3A_15, %reduce_sum3A_23 : f32
    %neg3A = arith.constant 0.000000e+00 : f32
    %neg3A_24 = arith.subf %neg3A, %div3A : f32
    %broadcast_in_dim3A = vector.broadcast %neg3A_24 : f32 to vector<1x1xf32>
    %swap3A = arith.constant 0 : index
    %swap3A_25 = arith.constant 0 : index
    %swap3A_26 = vector.load %arg3[%swap3A, %swap3A_25] : memref<1x1xf32, #tpu.memory_space<vmem>>, vector<1x1xf32>
    tpu.vector_store %arg3[%swap3A, %swap3A_25], %broadcast_in_dim3A {strides = array<i32>} : memref<1x1xf32, #tpu.memory_space<vmem>>, vector<1x1xf32>,
    return
  }
}

module attributes {stable_mosaic.version = 14 : i64} {
  func.func @_f_body(%arg0: i32, %arg1: memref<2048x256xf32, #tpu.memory_space<vmem>>, %arg2: memref<256xf32, #tpu.memory_space<vmem>>, %arg3: memref<16x128xf32, #tpu.memory_space<vmem>>) attributes {dimension_semantics = [#tpu.dimension_semantics<arbitrary>], iteration_bounds = array<i64: 5>, scalar_prefetch = 0 : i64, scratch_operands = 0 : i64, tpu.core_type = #tpu.core_type<tc>, window_params = [{transform_indices = @transform_0, window_bounds = array<i64: 2048, 256>}, {pipeline_mode = #tpu.pipeline_mode<synchronous>, transform_indices = @transform_1, window_bounds = array<i64: 256>}, {transform_indices = @transform_2, window_bounds = array<i64: 16, 128>}]} {
    %get3A = arith.constant 0 : index
    %get3A_0 = vector.load %arg2[%get3A] : memref<256xf32, #tpu.memory_space<vmem>>, vector<256xf32>
    %reshape3A = vector.shape_cast %get3A_0 : vector<256xf32> to vector<256x1xf32>
    %get3A_1 = arith.constant 0 : index
    %get3A_2 = arith.constant 0 : index
    %get3A_3 = vector.load %arg1[%get3A_1, %get3A_2] : memref<2048x256xf32, #tpu.memory_space<vmem>>, vector<2048x256xf32>
    %dot_general3A = arith.constant dense<0.000000e+00> : vector<2048x1xf32>
    %dot_general3A_4 = tpu.matmul %get3A_3, %reshape3A, %dot_general3A {dimension_numbers = #tpu.dot_dimension_numbers<[1], [0], [0], [1], [0, 0, 1, 1], [], []>, transpose_lhs_hint = false} : vector<2048x256xf32>, vector<256x1xf32>, vector<2048x1xf32> -> vector<2048x1xf32>
    %mul3A = arith.constant 2048 : i32
    %mul3A_5 = arith.muli %arg0, %mul3A : i32
    %iota3A = tpu.iota {dimensions = array<i32: 0>} : vector<2048x1xi32>
    %add3A = vector.broadcast %mul3A_5 : i32 to vector<2048x1xi32>
    %add3A_6 = arith.addi %add3A, %iota3A : vector<2048x1xi32>
    %lt3A = arith.constant 10000 : i32
    %lt3A_7 = vector.broadcast %lt3A : i32 to vector<2048x1xi32>
    %lt3A_8 = arith.cmpi slt, %add3A_6, %lt3A_7 : vector<2048x1xi32>
    %logistic3A = arith.negf %dot_general3A_4 : vector<2048x1xf32>
    %logistic3A_9 = math.exp %logistic3A : vector<2048x1xf32>
    %logistic3A_10 = arith.constant 1.000000e+00 : f32
    %logistic3A_11 = vector.broadcast %logistic3A_10 : f32 to vector<2048x1xf32>
    %logistic3A_12 = arith.addf %logistic3A_11, %logistic3A_9 : vector<2048x1xf32>
    %logistic3A_13 = arith.divf %logistic3A_11, %logistic3A_12 : vector<2048x1xf32>
    %jit3A = arith.constant 0.000000e+00 : f32
    %broadcast_in_dim3A = vector.broadcast %jit3A : f32 to vector<2048x1xf32>
    %select_n3A = arith.select %lt3A_8, %logistic3A_13, %broadcast_in_dim3A : vector<2048x1xi1>, vector<2048x1xf32>
    %reshape3A_14 = vector.shape_cast %select_n3A : vector<2048x1xf32> to vector<16x128xf32>
    %swap3A = arith.constant 0 : index
    %swap3A_15 = arith.constant 0 : index
    %swap3A_16 = vector.load %arg3[%swap3A, %swap3A_15] : memref<16x128xf32, #tpu.memory_space<vmem>>, vector<16x128xf32>
    tpu.vector_store %arg3[%swap3A, %swap3A_15], %reshape3A_14 {strides = array<i32>} : memref<16x128xf32, #tpu.memory_space<vmem>>, vector<16x128xf32>,
    return
  }
  func.func @transform_0(%arg0: i32) -> (i32, i32) {
    %c0_i32 = arith.constant 0 : i32
    %c0_i32_0 = arith.constant 0 : i32
    return %arg0, %c0_i32 : i32, i32
  }
  func.func @transform_1(%arg0: i32) -> i32 {
    %c0_i32 = arith.constant 0 : i32
    %c0_i32_0 = arith.constant 0 : i32
    return %c0_i32 : i32
  }
  func.func @transform_2(%arg0: i32) -> (i32, i32) {
    %c0_i32 = arith.constant 0 : i32
    %c0_i32_0 = arith.constant 0 : i32
    return %arg0, %c0_i32 : i32, i32
  }
}

</mosaic_0001>

<sc_bundles>
// kernel: kernel.5.cloned.1.call-start
scs
__scs_entry_jumppad:
0x0: {  	(pc) =	sbr.rel $0x88, $3  }
0x1: {  	(tag) =	ssettag $0x0;
	lr =	simm.s32 $0x1  }
0x2: {  	[smem:$0x3F9E] =	sst lr;
	_ =	strace $0xD0000000  }
0x3: {  	_ = 	snop  }
0x4: {  	_ = 	snop  }
0x5: {  	_ = 	snop  }
0x6: {  	_ = 	snop  }
0x7: {  	_ = 	snop  }
__scs_overlays_trampoline_lowered:
0x8: {  	[smem:$0x3FAD] =	sst s0  }
0x9: {  	[smem:$0x3FAE] =	sst s1  }
0xa: {  	[smem:$0x3FAF] =	sst s2  }
0xb: {  	[smem:$0x3FB0] =	sst s3  }
0xc: {  	[smem:$0x3FB1] =	sst s4  }
0xd: {  	[smem:$0x3FB2] =	sst s5  }
0xe: {  	[smem:$0x3FB3] =	sst s6  }
0xf: {  	[smem:$0x3FB4] =	sst s7  }
0x10: {  	[smem:$0x3FB5] =	sst s8  }
0x11: {  	[smem:$0x3FB6] =	sst s9;
	s0 =	simm.s32 @!p0 $0x0  }
0x12: {  	s1 =	sld [smem:$0x3F9C];
	s0 =	simm.s32 @p0 $0x1  }
0x13: {  	[smem:$0x3FB7] =	sst s0;
	s0 =	simm.s32 @!p1 $0x0  }
0x14: {  	s2 =	sld [smem:$0x3F9B];
	s0 =	simm.s32 @p1 $0x1  }
0x15: {  	[smem:$0x3FB8] =	sst s0;
	s0 =	simm.s32 @!p2 $0x0  }
0x16: {  	s3 =	sld [smem:$0x3FDB];
	s0 =	simm.s32 @p2 $0x1  }
0x17: {  	s4 =	simm.s32 $0x1BF5;
	[smem:$0x3FBA] =	sst s0  }
0x18: {  	s0 =	sld [smem:$0x3F9D];
	_ =	swait.ge [sflag:s4], $0x0  }
0x19: {  	s7 =	sld [smem:$0x3F9E]  }
0x1a: {  	s8 =	sadd.s32 $0xFFFFE003, lr  }
0x1b: {  	s9 =	sadd.s32 $0xFFFFFEF7, lr;
	s5 =	simm.s32 $0xFFFFFFFF;
	p2 =	slt.u32 s8, $0xFFFFF086  }
0x1c: {  	p1 =	slt.u32 s9, $0xF7A;
	s5 =	simm.s32 @!p2 $0x0  }
0x1d: {  	s5 =	simm.s32 @p1 $0x1;
	p0 =	seq.s32 s7, s2  }
0x1e: {  	s7 =	smul.u32 @!p0 $0xF7A, s2;
	p2 =	seq.s32 @!p0 s5, $0x0  }
0x1f: {  	s9 =	smul.u32 $0xF7A, s1;
	s8 =	simm.s32 @!p0 $0x1BF5;
	p2 =	por !p2, p0  }
0x20: {  	[sflag:s8] =	ssyncset.s32 @!p0 $0xFFFFF086;
	s6 =	sadd.s32 @!p0 s3, s7;
	s7 =	simm.s32 @!p0 $0x108  }
0x21: {  	s3 =	sadd.s32 s3, s9;
	s6 =	sadd.s32 @!p0 $0x88, s6;
	s7 =	simm.s32 @p2 $0x1082  }
0x22: {  	[simem:s7], [sflag:s8] =	dma.local @!p0 [hbm:s6], $0xF7A  }
0x23: {  	s9 =	sor.u32 $0xD0000000, s2;
	s6 =	simm.s32 $0x108;
	_ =	swait.ge @!p0 [sflag:s8], $0x0  }
0x24: {  	s3 =	sadd.s32 $0x88, s3;
	s6 =	simm.s32 @!p1 $0x1082;
	[sflag:s4] =	ssyncset.s32 $0xFFFFF086  }
0x25: {  	[simem:s6], [sflag:s4] =	dma.local [hbm:s3], $0xF7A  }
0x26: {  	[smem:$0x3F9E] =	sst s1;
	(tag) =	ssettag s2;
	_ =	strace s9  }
0x27: {  	s1 =	sld [smem:$0x3FAE]  }
0x28: {  	s2 =	sld [smem:$0x3FAF]  }
0x29: {  	s4 =	sld [smem:$0x3FB1]  }
0x2a: {  	p0 =	seq.s32 s5, $0x0;
	s5 =	sld [smem:$0x3FB2]  }
0x2b: {  	s6 =	sld [smem:$0x3FB3]  }
0x2c: {  	s7 =	sld [smem:$0x3FB4]  }
0x2d: {  	s3 =	simm.s32 $0x108;
	s8 =	sld [smem:$0x3FB5]  }
0x2e: {  	s3 =	simm.s32 @!p0 $0x1082;
	s9 =	sld [smem:$0x3FB6]  }
0x2f: {  	lr =	sadd.s32 s0, s3;
	s0 =	sld [smem:$0x3FAD]  }
0x30: {  	s3 =	sld [smem:$0x3FB0]  }
0x31: {  	[smem:$0x3FB9] =	sst s10  }
0x32: {  	s10 =	sld [smem:$0x3FB7];
	_ =	sdelay $0x3  }
0x33: {  	p0 =	seq.s32 s10, $0x1;
	s10 =	sld [smem:$0x3FB9];
	_ =	sdelay $0x3  }
0x34: {  	[smem:$0x3FB9] =	sst s10  }
0x35: {  	s10 =	sld [smem:$0x3FB8];
	_ =	sdelay $0x3  }
0x36: {  	p1 =	seq.s32 s10, $0x1;
	s10 =	sld [smem:$0x3FB9];
	_ =	sdelay $0x3  }
0x37: {  	[smem:$0x3FB9] =	sst s10  }
0x38: {  	s10 =	sld [smem:$0x3FBA]  }
0x39: {  	_ = 	snop;
	(pc) =	sbr.ind lr, $3  }
0x3a: {  	_ = 	snop  }
0x3b: {  	_ = 	snop  }
0x3c: {  	p2 =	seq.s32 s10, $0x1;
	s10 =	sld [smem:$0x3FB9]  }
0x3d: {  	_ =	shalt  }
0x3e: {  	_ =	shalt  }
0x3f: {  	_ =	shalt  }
0x40: {  	_ =	shalt  }
0x41: {  	_ =	shalt  }
0x42: {  	_ =	shalt  }
0x43: {  	_ =	shalt  }
0x44: {  	_ =	shalt  }
0x45: {  	_ =	shalt  }
0x46: {  	_ =	shalt  }
0x47: {  	_ =	shalt  }
0x48: {  	_ =	shalt  }
0x49: {  	_ =	shalt  }
0x4a: {  	_ =	shalt  }
0x4b: {  	_ =	shalt  }
0x4c: {  	_ =	shalt  }
0x4d: {  	_ =	shalt  }
0x4e: {  	_ =	shalt  }
0x4f: {  	_ =	shalt  }
0x50: {  	_ =	shalt  }
0x51: {  	_ =	shalt  }
0x52: {  	_ =	shalt  }
0x53: {  	_ =	shalt  }
0x54: {  	_ =	shalt  }
0x55: {  	_ =	shalt  }
0x56: {  	_ =	shalt  }
0x57: {  	_ =	shalt  }
0x58: {  	_ =	shalt  }
0x59: {  	_ =	shalt  }
0x5a: {  	_ =	shalt  }
0x5b: {  	_ =	shalt  }
0x5c: {  	_ =	shalt  }
0x5d: {  	_ =	shalt  }
0x5e: {  	_ =	shalt  }
0x5f: {  	_ =	shalt  }
0x60: {  	_ =	shalt  }
0x61: {  	_ =	shalt  }
0x62: {  	_ =	shalt  }
0x63: {  	_ =	shalt  }
0x64: {  	_ =	shalt  }
0x65: {  	_ =	shalt  }
0x66: {  	_ =	shalt  }
0x67: {  	_ =	shalt  }
0x68: {  	_ =	shalt  }
0x69: {  	_ =	shalt  }
0x6a: {  	_ =	shalt  }
0x6b: {  	_ =	shalt  }
0x6c: {  	_ =	shalt  }
0x6d: {  	_ =	shalt  }
0x6e: {  	_ =	shalt  }
0x6f: {  	_ =	shalt  }
0x70: {  	_ =	shalt  }
0x71: {  	_ =	shalt  }
0x72: {  	_ =	shalt  }
0x73: {  	_ =	shalt  }
0x74: {  	_ =	shalt  }
0x75: {  	_ =	shalt  }
0x76: {  	_ =	shalt  }
0x77: {  	_ =	shalt  }
0x78: {  	_ =	shalt  }
0x79: {  	_ =	shalt  }
0x7a: {  	_ =	shalt  }
0x7b: {  	_ =	shalt  }
0x7c: {  	_ =	shalt  }
0x7d: {  	_ =	shalt  }
0x7e: {  	_ =	shalt  }
0x7f: {  	_ =	shalt  }
0x80: {  	_ =	shalt  }
0x81: {  	_ =	shalt  }
0x82: {  	_ =	shalt  }
0x83: {  	_ =	shalt  }
0x84: {  	_ =	shalt  }
0x85: {  	_ =	shalt  }
0x86: {  	_ =	shalt  }
0x87: {  	_ =	shalt  }
.Lfunc_end0:
.L_simem_size_0:
called_computation_lowered:
.L_overlay_start_0:
0x88: {  	s2 =	sld [smem:$0x3FD9]  }
0x89: {  	s3 =	sld [smem:$0x3FFE];
	_ =	sdelay $0x1  }
0x8a: {  	s1 =	srdreg.scid  }
0x8b: {  	s0 =	sand.u32 $0x1, s1  }
0x8c: {  	s17 =	sshll.u32 s0, $0xA;
	s2 =	sadd.s32 s3, s2  }
0x8d: {  	s2 =	sadd.s32 s2, s17  }
0x8e: {  	[smem:$0x3FC5] =	sst s2  }
0x8f: {  	_ = 	snop  }
0x90: {  	s2 =	sld [smem:$0x3FC8];
	(tm) =	ssettm $0x1  }
0x91: {  	s18 =	sld [smem:$0x3FFB];
	_ =	sdelay $0x3  }
0x92: {  	_ =	strace s18  }
0x93: {  	s3 =	sld [smem:$0x3FFC];
	_ =	sdelay $0x3  }
0x94: {  	_ =	strace s3  }
0x95: {  	s3 =	sld [smem:$0x3FFD];
	_ =	sdelay $0x3  }
0x96: {  	_ =	strace s3  }
0x97: {  	_ =	strace $0x8FFFFFFF  }
0x98: {  	s19 =	sld [smem:$0x3FDB];
	_ =	sdelay $0x1  }
0x99: {  	s4 =	simm.s32 $_scs_section_size  }
0x9a: {  	s5 =	simm.s32 $_size__tile_overlayer_lowered;
	s6 =	simm.s32 $_tile_overlayer_lowered  }
0x9b: {  	s22 =	simm.s32 $0x1BFF;
	s21 =	sshll.u32 s6, $0x1;
	s3 =	sadd.s32 s4, s19  }
0x9c: {  	s7 =	simm.s32 $0x0;
	s20 =	sshll.u32 s5, $0x1;
	s5 =	sadd.s32 s21, s3  }
0x9d: {  	[timem:s7], [sflag:s22] =	dma.local [hbm:s5], s20  }
0x9e: {  	_ =	swait.ge [sflag:s22], s20  }
0x9f: {  	s4 =	ssub.s32 $0x0, s20;
	[sflag:s22] =	ssyncset.done $0x0  }
0xa0: {  	[sflag:s22] =	ssyncadd.s32 s4;
	_ =	sdelay $0x1  }
0xa1: {  	s23 =	simm.s32 $0x1B8B  }
0xa2: {  	_ =	swait.ge [sflag:s23], $0x1  }
0xa3: {  	[sflag:s23] =	ssyncset.done $0x0  }
0xa4: {  	s25 =	simm.s32 $0x1B8E;
	s24 =	sld [smem:$0x3FFE];
	[sflag:s23] =	ssyncadd.s32 $0xFFFFFFFF  }
0xa5: {  	s26 =	simm.s32 $execute0_lowered;
	[smem:$0x3FD2] =	sst s25  }
0xa6: {  	s5 =	sshll.u32 s26, $0x1;
	_ =	strace $0x80000046;
	[dreg:$0x1] =	wrdreg $0xFFFFFFFF  }
0xa7: {  	s28 =	simm.s32 $_size_execute0_lowered;
	s3 =	sadd.s32 s3, s5;
	[dreg:$0x0] =	wrdreg $0x0  }
0xa8: {  	s5 =	sshll.u32 s28, $0x1;
	[dreg:$0x2] =	wrdreg s3  }
0xa9: {  	[dreg:$0x3] =	wrdreg s5  }
0xaa: {  	[dreg:$0x4] =	wrdreg $0xC0  }
0xab: {  	_ =	task [dreg:s7], $0x5FFFF  }
0xac: {  	[dreg:$0x1] =	wrdreg $0xFFFFFFFF  }
0xad: {  	[dreg:$0x0] =	wrdreg $0x60  }
0xae: {  	[dreg:$0x2] =	wrdreg s24  }
0xaf: {  	[dreg:$0x3] =	wrdreg s2  }
0xb0: {  	[dreg:$0x4] =	wrdreg $0x67000  }
0xb1: {  	[dreg:$0x5] =	wrdreg $0x9  }
0xb2: {  	_ =	task.clear_ibuf [dreg:s7], $0x6FFFF;
	_ =	strace $0x90000046  }
0xb3: {  	s29 =	simm.s32 $0x9;
	_ =	strace $0x80000048  }
0xb4: {  	_ =	swait.ge [sflag:s29], $0x1  }
0xb5: {  	[sflag:s29] =	ssyncadd.s32 $0xFFFFFFFF  }
0xb6: {  	_ =	strace $0x90000048  }
0xb7: {  	_ =	sfence  }
0xb8: {  	s30 =	sld [smem:$0x0];
	_ =	sdelay $0x2  }
0xb9: {  	s31 =	sshll.u32 s1, $0xD;
	s1 =	sshrl.u32 s1, $0x2  }
0xba: {  	s3 =	sand.u32 $0x4000, s31;
	s1 =	sadd.s32 s1, s30  }
0xbb: {  	s0 =	sor.u32 s3, s0;
	s1 =	sshll.u32 s1, $0x11  }
0xbc: {  	s0 =	sor.u32 s1, s0  }
0xbd: {  	s0 =	sadd.s32 $0x8F2B, s0  }
0xbe: {  	[sflag:s0] =	ssyncadd.remote.s32 $0x1  }
0xbf: {  	_ =	sfence.sel $0xFFFF  }
0xc0: {  	[dreg:$0x0] =	wrdreg $0xFFFFFFFF;
	(pc) =	sbr.abs _section_cstart, $3  }
0xc1: {  	[dreg:$0x1] =	wrdreg $0xFFFFFFFF  }
0xc2: {  	_ =	task.clear_ibuf [dreg:s7], $0x2FFFF;
	_ =	strace $0x9FFFFFFF  }
0xc3: {  	(tm) =	ssettm $0x7FFFFFFF  }
tec
execute0_lowered:
.L_overlay_start_1:
0x0: {  	(tag) =	ssettag $0x1  }
0x1: {  	s1 =	rddreg [dreg:$0x0]  }
0x2: {  	s4 =	rddreg [dreg:$0x1]  }
0x3: {  	s0 =	srdreg.scid;
	s2 =	rddreg [dreg:$0x2]  }
0x4: {  	s12 =	stileid.u32;
	s3 =	simm.s32 $0x0;
	s7 =	simm.s32 $0x1  }
0x5: {  	s28 =	simm.s32 $0x2800;
	s30 =	simm.s32 $0x3;
	s11 =	sand.u32 $0x1, s0  }
0x6: {  	s6 =	sand.u32 $0x7, s12;
	[smem:$0x7FF] =	sst s3;
	s5 =	sadd.s32 $0x1400, s1  }
0x7: {  	s17 =	sadd.s32 $0x1A00, s1;
	s15 =	smul.u32 $0x280, s12;
	s26 =	sshll.u32 s12, $0x5  }
0x8: {  	s0 =	sshll.u32 s11, $0x4;
	p1 =	sne.s32 s6, $0x0;
	_ =	strace $0x80000047  }
0x9: {  	[dreg:$0x4] =	wrdreg s5;
	s5 =	simm.s32 $0x1;
	s6 =	sshll.u32 s6, $0x4  }
0xa: {  	s24 =	ssub.s32 $0x2, s11;
	s31 =	smul.u32 $0x2800, s11;
	s0 =	sor.u32 s12, s0  }
0xb: {  	s10 =	sshrl.u32 s24, $0x1;
	s11 =	sadd.s32 s15, s2;
	s13 =	sadd.s32 $0x80, s15  }
0xc: {  	s14 =	sand.u32 $0x380, s15;
	s21 =	sadd.s32 $0x100, s15;
	p0 =	seq.s32 s0, $0x0  }
0xd: {  	s8 =	sshrl.u32 s0, $0x3;
	s23 =	smul.u32 $0x27, s0;
	s9 =	smin.u32 s0, $0x2  }
0xe: {  	s18 =	ssub.s32 s24, s10;
	s16 =	sand.u32 $0x7C00, s13;
	s13 =	sand.u32 $0x380, s13  }
0xf: {  	s22 =	sadd.s32 $0x80, s11;
	s24 =	sadd.s32 $0x180, s11;
	p0 =	por !p1, !p0  }
0x10: {  	s16 =	sadd.s32 s31, s16;
	s18 =	smax.u32 s18, $0x1;
	s22 =	sshrl.u32 s22, $0x3  }
0x11: {  	s24 =	sshrl.u32 s24, $0x3;
	p0 =	por !p0, !p0;
	s19 =	sor.u32 s13, s16  }
0x12: {  	s16 =	sand.u32 $0x380, s21;
	s7 =	simm.s32 @!p0 $0x0;
	s20 =	sshrl.u32 s19, $0x3  }
0x13: {  	s19 =	sand.u32 $0x7C00, s21;
	p0 =	sgt.u32 s0, $0x1;
	s0 =	simm.s32 $0x2  }
0x14: {  	s7 =	ssub.s32 s8, s7;
	s8 =	sadd.s32 s9, s23;
	s19 =	sadd.s32 s31, s19  }
0x15: {  	s23 =	sadd.s32 $0x100, s11;
	s7 =	sshll.u32 s7, $0x7;
	s25 =	sshll.u32 s8, $0x5  }
0x16: {  	s16 =	sor.u32 s16, s19;
	s23 =	sshrl.u32 s23, $0x3;
	s6 =	sor.u32 s6, s7  }
0x17: {  	s7 =	sand.u32 $0x3C00, s15;
	s16 =	sshrl.u32 s16, $0x3;
	s6 =	sshrl.u32 s6, $0x3  }
0x18: {  	s12 =	sadd.s32 s31, s7;
	s1 =	sadd.s32 s6, s1;
	s6 =	sadd.s32 s4, s25  }
0x19: {  	s4 =	sadd.s32 s26, s4;
	s14 =	sor.u32 s14, s12;
	s29 =	sadd.s32 $0x10, s6  }
0x1a: {  	s8 =	sadd.s32 $0x260, s6;
	s9 =	sadd.s32 $0x9C10, s4;
	s10 =	sadd.s32 $0x9C00, s4  }
0x1b: {  	s12 =	sadd.s32 $0x2400, s1;
	s14 =	sshrl.u32 s14, $0x3;
	s1 =	simm.s32 $0x0  }
0x1c: {  	s13 =	sadd.s32 s17, s14;
	s14 =	sadd.s32 s17, s20;
	s20 =	sadd.s32 $0x180, s15  }
0x1d: {  	[dreg:$0x5] =	wrdreg s29;
	s15 =	sadd.s32 $0x200, s15;
	s25 =	sand.u32 $0x7C00, s20  }
0x1e: {  	s21 =	sand.u32 $0x7C00, s15;
	s20 =	sand.u32 $0x380, s20;
	s26 =	sand.u32 $0x380, s15  }
0x1f: {  	s15 =	sadd.s32 s17, s16;
	s19 =	sadd.s32 s31, s25;
	s4 =	sadd.s32 s31, s21  }
0x20: {  	s31 =	sadd.s32 $0x200, s11;
	s21 =	simm.s32 $0x1380;
	s29 =	sor.u32 s20, s19  }
0x21: {  	s4 =	sor.u32 s26, s4;
	s19 =	simm.s32 $0x80;
	s20 =	simm.s32 $0x100  }
0x22: {  	s25 =	sshrl.u32 s31, $0x3;
	s16 =	sshrl.u32 s29, $0x3;
	s4 =	sshrl.u32 s4, $0x3  }
0x23: {  	s26 =	simm.s32 $0x1D00;
	s16 =	sadd.s32 s17, s16;
	s17 =	sadd.s32 s17, s4  }
.LBB2_1:
0x24: {  	s4 =	rddreg [dreg:$0x5]  }
0x25: {  	[tilespmem:s3], [sflag:$0x1] =	stream.strided.gather [hbm4b:s4+s19], $0x1380, s20, s19, $0x38;
	[tilespmem:$0x6980] =	vst v63  }
0x26: {  	_ = 	snop  }
0x27: {  	[tilespmem:s21], [sflag:$0x1] =	stream.strided.gather [hbm4b:s6+s19], $0x980, s20, s19, $0x38;
	[tilespmem:$0x6980] =	vst v63  }
0x28: {  	_ = 	snop  }
0x29: {  	[tilespmem:s26], [sflag:$0x1] =	stream.strided.gather [hbm4b:s8+s19], $0xA00, s20, s19, $0x38;
	[tilespmem:$0x6980] =	vst v63  }
0x2a: {  	s7 =	rddreg [dreg:$0x4]  }
0x2b: {  	[tilespmem:s28], [sflag:$0x1] =	stream.linear.gather [hbm4b:s7+s3], $0x2800, $0x38;
	[tilespmem:$0x6980] =	vst v63  }
0x2c: {  	s29 =	simm.s32 @!p0 $0x2700;
	s4 =	simm.s32 @!p0 $0x0  }
0x2d: {  	[tilespmem:s29], [sflag:$0x1] =	stream.linear.gather @!p0 [hbm4b:s9+s4], $0x80, $0x38;
	[tilespmem:$0x6980] =	vst v63  }
0x2e: {  	s29 =	simm.s32 @!p0 $0x1  }
0x2f: {  	_ =	swait.ge @!p0 [sflag:s29], $0x80  }
0x30: {  	[sflag:s29] =	ssyncset.done @!p0 $0x0  }
0x31: {  	s31 =	simm.s32 @!p0 $0x2780;
	[sflag:s29] =	ssyncadd.s32 @!p0 $0xFFFFFF80  }
0x32: {  	[tilespmem:s31], [sflag:$0x1] =	stream.linear.gather @!p0 [hbm4b:s10+s4], $0x80, $0x38;
	[tilespmem:$0x6980] =	vst v63  }
0x33: {  	_ =	swait.ge @!p0 [sflag:s29], $0x80  }
0x34: {  	[sflag:s29] =	ssyncset.done @!p0 $0x0  }
0x35: {  	v0 =	vimm.f32 $0.0e+00;
	[sflag:s29] =	ssyncadd.s32 @!p0 $0xFFFFFF80  }
0x36: {  	[tilespmem:$0x6400] =	vst v0  }
0x37: {  	[tilespmem:$0x6410] =	vst v0  }
0x38: {  	[tilespmem:$0x6420] =	vst v0  }
0x39: {  	[tilespmem:$0x6430] =	vst v0  }
0x3a: {  	[tilespmem:$0x6440] =	vst v0  }
0x3b: {  	[tilespmem:$0x6450] =	vst v0  }
0x3c: {  	[tilespmem:$0x6460] =	vst v0  }
0x3d: {  	[tilespmem:$0x6470] =	vst v0  }
0x3e: {  	[tilespmem:$0x6480] =	vst v0  }
0x3f: {  	[tilespmem:$0x6490] =	vst v0  }
0x40: {  	[tilespmem:$0x64A0] =	vst v0  }
0x41: {  	[tilespmem:$0x64B0] =	vst v0  }
0x42: {  	[tilespmem:$0x64C0] =	vst v0  }
0x43: {  	[tilespmem:$0x64D0] =	vst v0  }
0x44: {  	[tilespmem:$0x64E0] =	vst v0  }
0x45: {  	[tilespmem:$0x64F0] =	vst v0  }
0x46: {  	[tilespmem:$0x6500] =	vst v0  }
0x47: {  	[tilespmem:$0x6510] =	vst v0  }
0x48: {  	[tilespmem:$0x6520] =	vst v0  }
0x49: {  	[tilespmem:$0x6530] =	vst v0  }
0x4a: {  	[tilespmem:$0x6540] =	vst v0  }
0x4b: {  	[tilespmem:$0x6550] =	vst v0  }
0x4c: {  	[tilespmem:$0x6560] =	vst v0  }
0x4d: {  	[tilespmem:$0x6570] =	vst v0  }
0x4e: {  	[tilespmem:$0x6580] =	vst v0  }
0x4f: {  	[tilespmem:$0x6590] =	vst v0  }
0x50: {  	[tilespmem:$0x65A0] =	vst v0  }
0x51: {  	[tilespmem:$0x65B0] =	vst v0  }
0x52: {  	[tilespmem:$0x65C0] =	vst v0  }
0x53: {  	[tilespmem:$0x65D0] =	vst v0  }
0x54: {  	[tilespmem:$0x65E0] =	vst v0  }
0x55: {  	[tilespmem:$0x65F0] =	vst v0  }
0x56: {  	[tilespmem:$0x6600] =	vst v0  }
0x57: {  	[tilespmem:$0x6610] =	vst v0  }
0x58: {  	[tilespmem:$0x6620] =	vst v0  }
0x59: {  	[tilespmem:$0x6630] =	vst v0  }
0x5a: {  	[tilespmem:$0x6640] =	vst v0  }
0x5b: {  	[tilespmem:$0x6650] =	vst v0  }
0x5c: {  	[tilespmem:$0x6660] =	vst v0  }
0x5d: {  	[tilespmem:$0x6670] =	vst v0  }
0x5e: {  	[tilespmem:$0x6380] =	vst v0  }
0x5f: {  	[tilespmem:$0x6390] =	vst v0  }
0x60: {  	[tilespmem:$0x63A0] =	vst v0  }
0x61: {  	[tilespmem:$0x63B0] =	vst v0  }
0x62: {  	[tilespmem:$0x63C0] =	vst v0  }
0x63: {  	[tilespmem:$0x63D0] =	vst v0  }
0x64: {  	[tilespmem:$0x63E0] =	vst v0  }
0x65: {  	s7 =	simm.s32 $0x6400;
	[tilespmem:$0x63F0] =	vst v0  }
0x66: {  	[spmem:s11] =	stream.linear.scatter [tilespmem:s7], [sflag:$0x3], $0x280, $0x38;
	[tilespmem:$0x6980] =	vst v63  }
0x67: {  	_ =	swait.ge [sflag:s30], $0x280  }
0x68: {  	[sflag:s30] =	ssyncset.done $0x0  }
0x69: {  	[sflag:s30] =	ssyncadd.s32 $0xFFFFFD80  }
0x6a: {  	_ =	swait.ge [sflag:s5], $0x1380  }
0x6b: {  	[sflag:s5] =	ssyncset.done $0x0  }
0x6c: {  	[sflag:s5] =	ssyncadd.s32 $0xFFFFEC80  }
0x6d: {  	_ =	swait.ge [sflag:s5], $0x980  }
0x6e: {  	[sflag:s5] =	ssyncset.done $0x0  }
0x6f: {  	[sflag:s5] =	ssyncadd.s32 $0xFFFFF680  }
0x70: {  	_ =	swait.ge [sflag:s5], $0xA00  }
0x71: {  	[sflag:s5] =	ssyncset.done $0x0  }
0x72: {  	[sflag:s5] =	ssyncadd.s32 $0xFFFFF600  }
0x73: {  	_ =	swait.ge [sflag:s5], $0x2800  }
0x74: {  	[sflag:s5] =	ssyncset.done $0x0  }
0x75: {  	[sflag:s5] =	ssyncadd.s32 $0xFFFFD800  }
0x76: {  	s29 =	simm.s32 $0x0;
	[bflag:$0x0] =	sbarrier.arrive $0xFFFF  }
0x77: {  	v1 =	vld [tilespmem:s29+$0x0];
	_ =	sdelay $0x5  }
0x78: {  	v2 =	vld [tilespmem:s29+$0x10];
	_ =	sdelay $0x1  }
0x79: {  	v1 =	vld.idx.msk [tilespmem:v1+s28+$0x0], $0xffff;
	_ =	sdelay $0x4  }
0x7a: {  	v3 =	vld [tilespmem:s29+$0x20];
	[tilespmem:s29+$0x5000] =	vst v1  }
0x7b: {  	v2 =	vld.idx.msk [tilespmem:v2+s28+$0x0], $0xffff;
	_ =	sdelay $0x4  }
0x7c: {  	v1 =	vmul.f32 v1, v1;
	[tilespmem:s29+$0x5010] =	vst v2;
	v4 =	vmul.f32 v2, v2;
	v2 =	vld [tilespmem:s29+$0x30];
	_ =	sdelay $0x1  }
0x7d: {  	v0 =	vadd.f32 v1, v0;
	v1 =	vld.idx.msk [tilespmem:v3+s28+$0x0], $0xffff;
	_ =	sdelay $0x1  }
0x7e: {  	s31 =	simm.s32 $0x100;
	s4 =	simm.s32 $0x200;
	v0 =	vadd.f32 v4, v0  }
.LBB2_2:
0x7f: {  	p1 =	sne.s32 s4, $0x2500  }
0x80: {  	s7 =	sshra.s32 s31, $0x2;
	s31 =	smov.u32 s4  }
0x81: {  	v3 =	vld [tilespmem:s7+$0x0];
	[tilespmem:s29+$0x5020] =	vst v1;
	v1 =	vmul.f32 v1, v1  }
0x82: {  	v2 =	vld.idx.msk [tilespmem:v2+s28+$0x0], $0xffff  }
0x83: {  	v0 =	vadd.f32 v1, v0;
	_ =	sdelay $0x4  }
0x84: {  	v1 =	vld [tilespmem:s7+$0x10];
	[tilespmem:s29+$0x5030] =	vst v2;
	v2 =	vmul.f32 v2, v2;
	s29 =	smov.u32 s7  }
0x85: {  	v3 =	vld.idx.msk [tilespmem:v3+s28+$0x0], $0xffff  }
0x86: {  	v0 =	vadd.f32 v2, v0;
	_ =	sdelay $0x4  }
0x87: {  	v2 =	vmul.f32 v3, v3;
	[tilespmem:s29+$0x5000] =	vst v3;
	v3 =	vld [tilespmem:s29+$0x20]  }
0x88: {  	v1 =	vld.idx.msk [tilespmem:v1+s28+$0x0], $0xffff  }
0x89: {  	v0 =	vadd.f32 v2, v0;
	_ =	sdelay $0x4  }
.Ltmp0:
0x8a: {  	v4 =	vmul.f32 v1, v1;
	[tilespmem:s29+$0x5010] =	vst v1;
	v2 =	vld [tilespmem:s29+$0x30];
	(pc) =	sbr.rel @p1 .LBB2_2-.Ltmp0, $3  }
0x8b: {  	v1 =	vld.idx.msk [tilespmem:v3+s28+$0x0], $0xffff  }
0x8c: {  	v0 =	vadd.f32 v4, v0;
	_ =	sdelay $0x1  }
0x8d: {  	s4 =	sadd.s32 $0x100, s4  }
0x8e: {  	_ = 	snop  }
0x8f: {  	s4 =	sshra.s32 s31, $0x2  }
0x90: {  	v3 =	vld [tilespmem:s4+$0x0]  }
0x91: {  	[tilespmem:s29+$0x5020] =	vst v1  }
0x92: {  	v2 =	vld.idx.msk [tilespmem:v2+s28+$0x0], $0xffff;
	_ =	sdelay $0x3  }
0x93: {  	v4 =	vld [tilespmem:s4+$0x10]  }
0x94: {  	[tilespmem:s29+$0x5030] =	vst v2  }
0x95: {  	v3 =	vld.idx.msk [tilespmem:v3+s28+$0x0], $0xffff;
	_ =	sdelay $0x3  }
0x96: {  	v5 =	vld [tilespmem:s4+$0x20]  }
0x97: {  	[tilespmem:s4+$0x5000] =	vst v3  }
0x98: {  	v4 =	vld.idx.msk [tilespmem:v4+s28+$0x0], $0xffff;
	_ =	sdelay $0x3  }
0x99: {  	v6 =	vld [tilespmem:s4+$0x30]  }
0x9a: {  	[tilespmem:s4+$0x5010] =	vst v4  }
0x9b: {  	v5 =	vld.idx.msk [tilespmem:v5+s28+$0x0], $0xffff  }
0x9c: {  	v1 =	vmul.f32 v1, v1;
	_ =	sdelay $0x1  }
0x9d: {  	v0 =	vadd.f32 v1, v0;
	v1 =	vmul.f32 v2, v2;
	_ =	sdelay $0x1  }
0x9e: {  	v0 =	vadd.f32 v1, v0;
	v1 =	vmul.f32 v3, v3;
	[tilespmem:s4+$0x5020] =	vst v5  }
0x9f: {  	v2 =	vld.idx.msk [tilespmem:v6+s28+$0x0], $0xffff  }
0xa0: {  	v0 =	vadd.f32 v1, v0;
	v1 =	vmul.f32 v4, v4;
	_ =	sdelay $0x1  }
0xa1: {  	v0 =	vadd.f32 v1, v0;
	v1 =	vmul.f32 v5, v5;
	_ =	sdelay $0x1  }
0xa2: {  	s7 =	simm.s32 $0x5000;
	v0 =	vadd.f32 v1, v0;
	[tilespmem:s4+$0x5030] =	vst v2;
	v1 =	vmul.f32 v2, v2;
	s4 =	simm.s32 $0x980  }
0xa3: {  	[spmem:s2] =	stream.indirect.scatter.add.f32 [tilespmem:s7], [sflag:$0x2], $0x1, s21, s4, $0xb8;
	[tilespmem:$0x6980] =	vst v63  }
0xa4: {  	s31 =	simm.s32 $0x9B0;
	s29 =	simm.s32 $0x59A0;
	s4 =	simm.s32 $0x0;
	v0 =	vadd.f32 v1, v0  }
.LBB2_4:
0xa5: {  	s7 =	sand.u32 $0xFC0, s4  }
0xa6: {  	v1 =	vld [tilespmem:s7+$0x980];
	_ =	sdelay $0x7  }
0xa7: {  	v1 =	vld.idx.msk [tilespmem:v1+s28+$0x0], $0xffff;
	_ =	sdelay $0x4  }
0xa8: {  	[tilespmem:s29+$0xFFFFFFE0] =	vst v1  }
0xa9: {  	v2 =	vld [tilespmem:s31+$0xFFFFFFE0];
	_ =	sdelay $0x7  }
0xaa: {  	v2 =	vld.idx.msk [tilespmem:v2+s28+$0x0], $0xffff;
	_ =	sdelay $0x4  }
0xab: {  	[tilespmem:s29+$0xFFFFFFF0] =	vst v2  }
0xac: {  	v3 =	vld [tilespmem:s31+$0xFFFFFFF0];
	_ =	sdelay $0x7  }
0xad: {  	v3 =	vld.idx.msk [tilespmem:v3+s28+$0x0], $0xffff;
	_ =	sdelay $0x4  }
0xae: {  	[tilespmem:s29+$0x0] =	vst v3  }
0xaf: {  	v4 =	vld [tilespmem:s31+$0x0];
	_ =	sdelay $0x6  }
0xb0: {  	v1 =	vmul.f32 v1, v1  }
0xb1: {  	v4 =	vld.idx.msk [tilespmem:v4+s28+$0x0], $0xffff  }
0xb2: {  	v0 =	vadd.f32 v1, v0;
	v1 =	vmul.f32 v2, v2  }
0xb3: {  	p1 =	sne.s32 s4, $0x9C0  }
.Ltmp1:
0xb4: {  	v0 =	vadd.f32 v1, v0;
	v1 =	vmul.f32 v3, v3;
	(pc) =	sbr.rel @p1 .LBB2_4-.Ltmp1, $3  }
0xb5: {  	_ = 	snop  }
0xb6: {  	v0 =	vadd.f32 v1, v0;
	v1 =	vmul.f32 v4, v4;
	_ =	sdelay $0x1  }
0xb7: {  	s4 =	sadd.s32 $0x40, s4;
	s31 =	sadd.s32 $0x40, s31;
	[tilespmem:s29+$0x10] =	vst v4;
	s29 =	sadd.s32 $0x40, s29;
	v0 =	vadd.f32 v1, v0  }
0xb8: {  	s4 =	simm.s32 $0xA00;
	s7 =	simm.s32 $0x5980  }
0xb9: {  	[spmem:s2] =	stream.indirect.scatter.add.f32 [tilespmem:s7], [sflag:$0x2], $0x1, s26, s4, $0xb8;
	[tilespmem:$0x6980] =	vst v63  }
0xba: {  	v1 =	vld @!p0 [tilespmem:$0x2700];
	_ =	sdelay $0x5  }
0xbb: {  	v2 =	vld @!p0 [tilespmem:$0x2710]  }
0xbc: {  	s4 =	simm.s32 @!p0 $0x2800  }
0xbd: {  	v1 =	vld.idx.msk @!p0 [tilespmem:v1+s4+$0x0], $0xffff;
	_ =	sdelay $0x3  }
0xbe: {  	v3 =	vld @!p0 [tilespmem:$0x2720]  }
0xbf: {  	[tilespmem:$0x6380] =	vst @!p0 v1  }
0xc0: {  	v1 =	vld.idx.msk @!p0 [tilespmem:v2+s4+$0x0], $0xffff;
	_ =	sdelay $0x3  }
0xc1: {  	v2 =	vld @!p0 [tilespmem:$0x2730]  }
0xc2: {  	[tilespmem:$0x6390] =	vst @!p0 v1  }
0xc3: {  	v1 =	vld.idx.msk @!p0 [tilespmem:v3+s4+$0x0], $0xffff;
	_ =	sdelay $0x3  }
0xc4: {  	v3 =	vld @!p0 [tilespmem:$0x2740]  }
0xc5: {  	[tilespmem:$0x63A0] =	vst @!p0 v1  }
0xc6: {  	v1 =	vld.idx.msk @!p0 [tilespmem:v2+s4+$0x0], $0xffff;
	_ =	sdelay $0x3  }
0xc7: {  	v2 =	vld @!p0 [tilespmem:$0x2750]  }
0xc8: {  	[tilespmem:$0x63B0] =	vst @!p0 v1  }
0xc9: {  	v1 =	vld.idx.msk @!p0 [tilespmem:v3+s4+$0x0], $0xffff;
	_ =	sdelay $0x3  }
0xca: {  	v3 =	vld @!p0 [tilespmem:$0x2760]  }
0xcb: {  	[tilespmem:$0x63C0] =	vst @!p0 v1  }
0xcc: {  	v1 =	vld.idx.msk @!p0 [tilespmem:v2+s4+$0x0], $0xffff;
	_ =	sdelay $0x3  }
0xcd: {  	v2 =	vld @!p0 [tilespmem:$0x2770]  }
0xce: {  	[tilespmem:$0x63D0] =	vst @!p0 v1  }
0xcf: {  	v1 =	vld.idx.msk @!p0 [tilespmem:v3+s4+$0x0], $0xffff;
	_ =	sdelay $0x4  }
0xd0: {  	[tilespmem:$0x63E0] =	vst @!p0 v1  }
0xd1: {  	v1 =	vld.idx.msk @!p0 [tilespmem:v2+s4+$0x0], $0xffff;
	_ =	sdelay $0x4  }
0xd2: {  	s29 =	simm.s32 @!p0 $0x6380;
	s7 =	simm.s32 @!p0 $0x2780;
	s4 =	simm.s32 @!p0 $0x80;
	[tilespmem:$0x63F0] =	vst @!p0 v1  }
0xd3: {  	[spmem:s2] =	stream.indirect.scatter.add.f32 @!p0 [tilespmem:s29], [sflag:$0x2], $0x1, s7, s4, $0xb8;
	[tilespmem:$0x6980] =	vst v63  }
0xd4: {  	s4 =	simm.s32 @!p0 $0x2  }
0xd5: {  	_ =	swait.ge @!p0 [sflag:s4], $0x80  }
0xd6: {  	[sflag:s4] =	ssyncset.done @!p0 $0x0  }
0xd7: {  	[sflag:s4] =	ssyncadd.s32 @!p0 $0xFFFFFF80  }
0xd8: {  	v50 =	vld [tilespmem:$0x6380];
	_ =	sdelay $0x1  }
0xd9: {  	v51 =	vld [tilespmem:$0x6390];
	_ =	sdelay $0x1  }
0xda: {  	v52 =	vld [tilespmem:$0x63A0]  }
0xdb: {  	v1 =	vmul.f32 v50, v50  }
0xdc: {  	v4 =	vld [tilespmem:$0x63B0]  }
0xdd: {  	v53 =	vmul.f32 v51, v51;
	v0 =	vadd.f32 v1, v0  }
0xde: {  	v54 =	vld [tilespmem:$0x63C0]  }
0xdf: {  	v55 =	vmul.f32 v52, v52;
	v0 =	vadd.f32 v53, v0  }
0xe0: {  	v56 =	vld [tilespmem:$0x63D0]  }
0xe1: {  	v57 =	vmul.f32 v4, v4;
	v0 =	vadd.f32 v55, v0  }
0xe2: {  	v58 =	vld [tilespmem:$0x63E0]  }
0xe3: {  	v59 =	vmul.f32 v54, v54;
	v0 =	vadd.f32 v57, v0  }
0xe4: {  	v60 =	vld [tilespmem:$0x63F0]  }
0xe5: {  	v61 =	vmul.f32 v56, v56;
	v0 =	vadd.f32 v59, v0;
	_ =	sdelay $0x1  }
0xe6: {  	v62 =	vmul.f32 v58, v58;
	v0 =	vadd.f32 v61, v0;
	_ =	sdelay $0x1  }
0xe7: {  	v63 =	vmul.f32 v60, v60;
	v0 =	vadd.f32 v62, v0;
	_ =	sdelay $0x1  }
0xe8: {  	v0 =	vadd.f32 v63, v0;
	_ =	sdelay $0x1  }
0xe9: {  	s7 =	simm.s32 $0x6680;
	[tilespmem:$0x6680] =	vst v0  }
0xea: {  	[hbm4b:s12+s3] =	stream.linear.scatter [tilespmem:s7], [sflag:$0x3], $0x10, $0x38;
	[tilespmem:$0x6980] =	vst v63  }
0xeb: {  	_ =	swait.ge [sflag:s30], $0x10  }
0xec: {  	[sflag:s30] =	ssyncset.done $0x0  }
0xed: {  	[sflag:s30] =	ssyncadd.s32 $0xFFFFFFF0  }
0xee: {  	_ =	swait.ge [sflag:s0], $0x980  }
0xef: {  	[sflag:s0] =	ssyncset.done $0x0  }
0xf0: {  	[sflag:s0] =	ssyncadd.s32 $0xFFFFF680  }
0xf1: {  	_ =	swait.ge [sflag:s0], $0xA00  }
0xf2: {  	s29 =	stileid.u32;
	[sflag:s0] =	ssyncset.done $0x0  }
0xf3: {  	s4 =	sshll.u32 s29, $0x6;
	[sflag:s0] =	ssyncadd.s32 $0xFFFFF600  }
0xf4: {  	s31 =	sshrl.u32 s11, $0x3;
	s4 =	sor.u32 $0x1C01, s4;
	[bflag:$0x0] =	sbarrier.arrive $0xFFFF  }
0xf5: {  	[hbm:s13], [sflag:s4] =	dma.local [spmem:s31], $0x10  }
0xf6: {  	[hbm:s14], [sflag:s4] =	dma.local [spmem:s22], $0x10  }
0xf7: {  	[hbm:s15], [sflag:s4] =	dma.local [spmem:s23], $0x10  }
0xf8: {  	[hbm:s16], [sflag:s4] =	dma.local [spmem:s24], $0x10  }
0xf9: {  	[hbm:s17], [sflag:s4] =	dma.local [spmem:s25], $0x10  }
0xfa: {  	_ =	swait.ge [sflag:s5], $0x10  }
0xfb: {  	[sflag:s5] =	ssyncset.done $0x0  }
0xfc: {  	[sflag:s5] =	ssyncadd.s32 $0xFFFFFFF0  }
0xfd: {  	_ =	swait.ge [sflag:s5], $0x10  }
0xfe: {  	[sflag:s5] =	ssyncset.done $0x0  }
0xff: {  	[sflag:s5] =	ssyncadd.s32 $0xFFFFFFF0  }
0x100: {  	_ =	swait.ge [sflag:s5], $0x10  }
0x101: {  	[sflag:s5] =	ssyncset.done $0x0  }
0x102: {  	s1 =	sadd.s32 $0x1, s1;
	[sflag:s5] =	ssyncadd.s32 $0xFFFFFFF0  }
0x103: {  	p1 =	sne.s32 s1, s18;
	_ =	swait.ge [sflag:s5], $0x10  }
.Ltmp2:
0x104: {  	[sflag:s5] =	ssyncset.done $0x0;
	(pc) =	sbr.rel @p1 .LBB2_1-.Ltmp2, $4  }
0x105: {  	[sflag:s5] =	ssyncadd.s32 $0xFFFFFFF0  }
0x106: {  	_ =	swait.ge [sflag:s5], $0x10  }
0x107: {  	[sflag:s5] =	ssyncset.done $0x0  }
0x108: {  	[sflag:s5] =	ssyncadd.s32 $0xFFFFFFF0  }
0x109: {  	_ =	sfence.sel $0x180000  }
0x10a: {  	[bflag:$0x0] =	sbarrier.arrive $0xFFFF  }
0x10b: {  	_ =	strace $0x90000047  }
0x10c: {  	s0 =	stileid.u32;
	[bflag:$0x2] =	sbarrier.arrive $0xFFFF  }
0x10d: {  	p0 =	sne.s32 s0, $0x0;
	s0 =	rddreg [dreg:$0x3]  }
0x10e: {  	s0 =	sadd.s32 @!p0 $0x100000, s0  }
0x10f: {  	[sflag:s0] =	ssyncadd.tile.s32 @!p0 $0x1;
	_ =	shalt  }
.Lfunc_end2:
_tile_overlayer_lowered:
.L_overlay_start_2:
0x110: {  	(tag) =	ssettag $0x2  }
0x111: {  	s0 =	rddreg [dreg:$0x0];
	s2 =	stileid.u32  }
0x112: {  	s1 =	rddreg [dreg:$0x1];
	p0 =	sne.s32 s2, $0x0  }
0x113: {  	s3 =	rddreg [dreg:$0x2];
	[bflag:$0x3] =	sbarrier.arrive $0xFFFF;
	s2 =	simm.s32 @!p0 $0x1C03  }
0x114: {  	[timem:s3], [sflag:s2] =	dma.local @!p0 [hbm:s0], s1  }
0x115: {  	s0 =	simm.s32 @!p0 $0x3  }
0x116: {  	_ =	swait.ge @!p0 [sflag:s0], s1  }
0x117: {  	s1 =	ssub.s32 @!p0 $0x0, s1;
	[sflag:s0] =	ssyncset.done @!p0 $0x0  }
0x118: {  	[sflag:s0] =	ssyncadd.s32 @!p0 s1  }
0x119: {  	[bflag:$0x3] =	sbarrier.arrive $0xFFFF  }
0x11a: {  	_ =	shalt  }

</sc_bundles>
